<compile_context>
chip_gen: v7x
topology: tpu7x:2x2x1
jax: 0.10.2.dev20260603
libtpu: 0.0.44.dev20260713+nightly
codegen_flags: <defaults>
</compile_context>

<pallas_src>
import functools

import jax
import jax.numpy as jnp
from jax import lax
from jax.experimental import pallas as pl
from jax.experimental.pallas import tpu as pltpu
from jax.experimental.pallas import tpu_sc as plsc

B, S, D = 4, 2048, 768
N = B * S
BH = B // 2
NH = BH * S
NW = 32
TPW = NH // NW
CH = 64


def _sc_gather_body(ids_hbm, tok_hbm, out_hbm, idx0, idx1, rows0,
                    rows1, sem0, sem1):
    c = lax.axis_index("c")
    s = lax.axis_index("s")
    w = s * 2 + c
    b = w // (NW // BH)
    soff = (w % (NW // BH)) * TPW
    dst_base = w * TPW
    nk = TPW // CH
    idx = (idx0, idx1)
    rows = (rows0, rows1)
    sems = (sem0, sem1)
    copies = [None] * nk

    def start(k):
        pltpu.sync_copy(ids_hbm.at[b, pl.ds(soff + k * CH, CH)], idx[k % 2])
        copies[k] = pltpu.async_copy(tok_hbm.at[idx[k % 2]], rows[k % 2],
                                     sems[k % 2])

    start(0)
    if nk > 1:
        start(1)
    for k in range(nk):
        copies[k].wait()
        pltpu.sync_copy(rows[k % 2],
                        out_hbm.at[pl.ds(dst_base + k * CH, CH), :])
        if k + 2 < nk:
            start(k + 2)


def _sc_gather(ids_half, token_table):
    mesh = plsc.VectorSubcoreMesh(core_axis_name="c", subcore_axis_name="s")
    call = functools.partial(
        pl.kernel,
        mesh=mesh,
        out_type=jax.ShapeDtypeStruct((NH, D), jnp.float32),
        scratch_types=[
            pltpu.VMEM((CH,), jnp.int32),
            pltpu.VMEM((CH,), jnp.int32),
            pltpu.VMEM((CH, D), jnp.float32),
            pltpu.VMEM((CH, D), jnp.float32),
            pltpu.SemaphoreType.DMA,
            pltpu.SemaphoreType.DMA,
        ],
    )(_sc_gather_body)
    return call(ids_half, token_table)


def _tc_ln_body(rows_ref, tt_ref, pos_ref, type_ref, gamma_ref, beta_ref,
                *rest):
    out_ref = rest[-1]
    x = rows_ref[...] + pos_ref[...]
    ttf = tt_ref[...].reshape(S, 1).astype(jnp.float32)
    t0 = type_ref[0:1, :]
    t1 = type_ref[1:2, :]
    x = x + t0 + ttf * (t1 - t0)
    mean = jnp.mean(x, axis=1, keepdims=True)
    xc = x - mean
    var = jnp.mean(xc * xc, axis=1, keepdims=True)
    inv = lax.rsqrt(var + jnp.float32(1e-12))
    out_ref[...] = xc * inv * gamma_ref[...] + beta_ref[...]


def _tc_ln_half(rows_half, ttf, pos_table, type_table, gamma2, beta2,
                prev_out, half):
    in_specs = [
        pl.BlockSpec((S, D), lambda b: (b, 0)),
        pl.BlockSpec((1, 1, S), lambda b, h=half: (BH * h + b, 0, 0)),
        pl.BlockSpec((S, D), lambda b: (0, 0)),
        pl.BlockSpec((2, D), lambda b: (0, 0)),
        pl.BlockSpec((1, D), lambda b: (0, 0)),
        pl.BlockSpec((1, D), lambda b: (0, 0)),
    ]
    args = [rows_half, ttf, pos_table, type_table, gamma2, beta2]
    aliases = {}
    if prev_out is not None:
        in_specs.append(
            pl.BlockSpec((S, D), lambda b, h=half: (BH * h + b, 0)))
        args.append(prev_out)
        aliases = {6: 0}
    return pl.pallas_call(
        _tc_ln_body,
        grid=(BH,),
        in_specs=in_specs,
        out_specs=pl.BlockSpec((S, D), lambda b, h=half: (BH * h + b, 0)),
        out_shape=jax.ShapeDtypeStruct((N, D), jnp.float32),
        input_output_aliases=aliases,
    )(*args)


def kernel(input_ids, token_type_ids, token_table, pos_table, type_table,
           gamma, beta):
    ids = input_ids.astype(jnp.int32)
    tt = token_type_ids.astype(jnp.int32).reshape(B, 1, S)
    gamma2 = gamma.reshape(1, D)
    beta2 = beta.reshape(1, D)

    rows0 = _sc_gather(ids[:BH], token_table)
    rows1 = _sc_gather(ids[BH:], token_table)

    out = _tc_ln_half(rows0, tt, pos_table, type_table, gamma2, beta2,
                      None, 0)
    out = _tc_ln_half(rows1, tt, pos_table, type_table, gamma2, beta2,
                      out, 1)
    return out.reshape(B, S, D)

# --- scband reference (transcript-rebuilt; emitter-appended) ---
"""Pipeline reference for scband-tfbert-embeddings-50517405336075 (READ-ONLY COPY).

The authoritative reference and input builder live on the scoring server;
editing this copy changes nothing except your own understanding.
"""

import jax, jax.numpy as jnp
import numpy as np

VOCAB = 100000
HIDDEN = 768
MAX_POS = 2048
TYPE_VOCAB = 2
B, S = 4, 2048

def setup_inputs(seed: int = 0) -> dict:
    key = jax.random.key(seed)
    k1, k2, k3, k4, k5, k6 = jax.random.split(key, 6)
    input_ids = jax.random.randint(k1, (B, S), 0, VOCAB, dtype=jnp.int64 if jax.config.jax_enable_x64 else jnp.int32)
    token_type_ids = jax.random.randint(k2, (B, S), 0, TYPE_VOCAB, dtype=input_ids.dtype)
    token_table = jax.random.truncated_normal(k3, -2.0, 2.0, (VOCAB, HIDDEN), dtype=jnp.float32) * 0.02
    pos_table = jax.random.truncated_normal(k4, -2.0, 2.0, (MAX_POS, HIDDEN), dtype=jnp.float32) * 0.02
    type_table = jax.random.truncated_normal(k5, -2.0, 2.0, (TYPE_VOCAB, HIDDEN), dtype=jnp.float32) * 0.02
    gamma = jnp.ones((HIDDEN,), dtype=jnp.float32)
    beta = jnp.zeros((HIDDEN,), dtype=jnp.float32)
    return {
        "input_ids": input_ids,
        "token_type_ids": token_type_ids,
        "token_table": token_table,
        "pos_table": pos_table,
        "type_table": type_table,
        "gamma": gamma,
        "beta": beta,
    }

def _layer_norm(x, gamma, beta, eps=1e-12):
    mean = jnp.mean(x, axis=-1, keepdims=True)
    var = jnp.mean(jnp.square(x - mean), axis=-1, keepdims=True)
    return (x - mean) / jnp.sqrt(var + eps) * gamma + beta

def reference(input_ids, token_type_ids, token_table, pos_table, type_table, gamma, beta):
    seq_length = input_ids.shape[1]
    position_ids = jnp.arange(seq_length, dtype=jnp.int32)[None, :]
    input_embeddings = jnp.take(token_table, input_ids, axis=0)
    token_type_embeddings = jnp.take(type_table, token_type_ids, axis=0)
    position_embeddings = jnp.take(pos_table, position_ids, axis=0)
    embeddings = input_embeddings + position_embeddings + token_type_embeddings
    embeddings = _layer_norm(embeddings, gamma, beta)
    # dropout is identity at inference (Keras Dropout with training=False)
    return embeddings

if __name__ == "__main__":
    import jax
    _d = setup_inputs()
    print(jax.jit(kernel)(*tuple(_d.values())))

</pallas_src>

<mosaic_0001>
#map = affine_map<(d0, d1) -> (0, 0)>
module attributes {stable_mosaic.version = 14 : i64} {
  func.func @_sc_gather_body(%arg0: i32, %arg1: i32, %arg2: memref<2x2048xi32, #tpu.memory_space<hbm>>, %arg3: memref<100000x768xf32, #tpu.memory_space<hbm>>, %arg4: memref<4096x768xf32, #tpu.memory_space<hbm>>, %arg5: memref<64xi32, #tpu.memory_space<vmem>>, %arg6: memref<64xi32, #tpu.memory_space<vmem>>, %arg7: memref<64x768xf32, #tpu.memory_space<vmem>>, %arg8: memref<64x768xf32, #tpu.memory_space<vmem>>, %arg9: memref<!tpu.dma_semaphore, #tpu.memory_space<semaphore_mem>>, %arg10: memref<!tpu.dma_semaphore, #tpu.memory_space<semaphore_mem>>) attributes {dimension_semantics = [#tpu.dimension_semantics<core_parallel>, #tpu.dimension_semantics<subcore_parallel>], iteration_bounds = array<i64: 2, 16>, scalar_prefetch = 0 : i64, scratch_operands = 6 : i64, tpu.core_type = #tpu.core_type<sc_vector_subcore>, window_params = [{transform_indices = #map}, {transform_indices = #map}, {transform_indices = #map}]} {
    %mul3A = arith.constant 2 : i32
    %mul3A_0 = arith.muli %arg1, %mul3A : i32
    %add3A = arith.addi %mul3A_0, %arg0 : i32
    %jit3A = arith.constant 16 : i32
    %div3A = arith.divsi %add3A, %jit3A : i32
    %sign3A = arith.constant 0 : i32
    %sign3A_1 = arith.cmpi sgt, %add3A, %sign3A : i32
    %sign3A_2 = arith.extui %sign3A_1 : i1 to i32
    %sign3A_3 = arith.constant 0 : i32
    %sign3A_4 = arith.cmpi slt, %add3A, %sign3A_3 : i32
    %sign3A_5 = arith.extui %sign3A_4 : i1 to i32
    %sign3A_6 = arith.subi %sign3A_2, %sign3A_5 : i32
    %sign3A_7 = arith.constant 0 : i32
    %sign3A_8 = arith.cmpi sgt, %jit3A, %sign3A_7 : i32
    %sign3A_9 = arith.extui %sign3A_8 : i1 to i32
    %sign3A_10 = arith.constant 0 : i32
    %sign3A_11 = arith.cmpi slt, %jit3A, %sign3A_10 : i32
    %sign3A_12 = arith.extui %sign3A_11 : i1 to i32
    %sign3A_13 = arith.subi %sign3A_9, %sign3A_12 : i32
    %ne3A = arith.cmpi ne, %sign3A_6, %sign3A_13 : i32
    %rem3A = arith.remsi %add3A, %jit3A : i32
    %ne3A_14 = arith.constant 0 : i32
    %ne3A_15 = arith.cmpi ne, %rem3A, %ne3A_14 : i32
    %and3A = arith.andi %ne3A, %ne3A_15 : i1
    %sub3A = arith.constant 1 : i32
    %sub3A_16 = arith.subi %div3A, %sub3A : i32
    %select_n3A = arith.select %and3A, %sub3A_16, %div3A : i32
    %jit3A_17 = arith.constant 16 : i32
    %eq3A = arith.constant 0 : i32
    %eq3A_18 = arith.cmpi eq, %jit3A_17, %eq3A : i32
    %jit3A_19 = arith.constant 1 : i32
    %select_n3A_20 = arith.select %eq3A_18, %jit3A_19, %jit3A_17 : i32
    %rem3A_21 = arith.remsi %add3A, %select_n3A_20 : i32
    %ne3A_22 = arith.constant 0 : i32
    %ne3A_23 = arith.cmpi ne, %rem3A_21, %ne3A_22 : i32
    %lt3A = arith.constant 0 : i32
    %lt3A_24 = arith.cmpi slt, %rem3A_21, %lt3A : i32
    %lt3A_25 = arith.constant 0 : i32
    %lt3A_26 = arith.cmpi slt, %select_n3A_20, %lt3A_25 : i32
    %ne3A_27 = arith.xori %lt3A_24, %lt3A_26 : i1
    %and3A_28 = arith.andi %ne3A_27, %ne3A_23 : i1
    %add3A_29 = arith.addi %rem3A_21, %select_n3A_20 : i32
    %select_n3A_30 = arith.select %and3A_28, %add3A_29, %rem3A_21 : i32
    %mul3A_31 = arith.constant 128 : i32
    %mul3A_32 = arith.muli %select_n3A_30, %mul3A_31 : i32
    %mul3A_33 = arith.constant 128 : i32
    %mul3A_34 = arith.muli %add3A, %mul3A_33 : i32
    %add3A_35 = arith.constant 0 : i32
    %add3A_36 = arith.addi %mul3A_32, %add3A_35 : i32
    "tpu.region"() ({
      %run_scoped3A = tpu.sem_alloc : memref<!tpu.dma_semaphore, #tpu.memory_space<semaphore_mem>>
      %dma_start3A_53 = tpu.memref_slice %arg2[%select_n3A, %add3A_36] : memref<2x2048xi32, #tpu.memory_space<hbm>> -> memref<1x64xi32, #tpu.memory_space<hbm>>
      %dma_start3A_54 = tpu.memref_squeeze %dma_start3A_53 : memref<1x64xi32, #tpu.memory_space<hbm>> -> memref<64xi32, #tpu.memory_space<hbm>>
      %dma_start3A_55 = tpu.memref_slice %arg2[%select_n3A, %add3A_36] : memref<2x2048xi32, #tpu.memory_space<hbm>> -> memref<1x64xi32, #tpu.memory_space<hbm>>
      %dma_start3A_56 = tpu.memref_squeeze %dma_start3A_55 : memref<1x64xi32, #tpu.memory_space<hbm>> -> memref<64xi32, #tpu.memory_space<hbm>>
      tpu.enqueue_dma source(%dma_start3A_56 : memref<64xi32, #tpu.memory_space<hbm>>) target(%arg5 : memref<64xi32, #tpu.memory_space<vmem>>) target_semaphore(%run_scoped3A : memref<!tpu.dma_semaphore, #tpu.memory_space<semaphore_mem>>)
      %dma_wait3A_57 = tpu.memref_slice %arg2[%select_n3A, %add3A_36] : memref<2x2048xi32, #tpu.memory_space<hbm>> -> memref<1x64xi32, #tpu.memory_space<hbm>>
      %dma_wait3A_58 = tpu.memref_squeeze %dma_wait3A_57 : memref<1x64xi32, #tpu.memory_space<hbm>> -> memref<64xi32, #tpu.memory_space<hbm>>
      %dma_wait3A_59 = tpu.memref_slice %arg2[%select_n3A, %add3A_36] : memref<2x2048xi32, #tpu.memory_space<hbm>> -> memref<1x64xi32, #tpu.memory_space<hbm>>
      %dma_wait3A_60 = tpu.memref_squeeze %dma_wait3A_59 : memref<1x64xi32, #tpu.memory_space<hbm>> -> memref<64xi32, #tpu.memory_space<hbm>>
      tpu.wait_dma2 semaphore(%run_scoped3A : memref<!tpu.dma_semaphore, #tpu.memory_space<semaphore_mem>>) src(%dma_wait3A_60 : memref<64xi32, #tpu.memory_space<hbm>>) dst(%arg5 : memref<64xi32, #tpu.memory_space<vmem>>)
      tpu.yield
    }) : () -> ()
    %dma_start3A = arith.constant 0 : i32
    %dma_start3A_37 = arith.constant 0 : i32
    %dma_start3A_38 = tpu.memref_slice %arg3[%dma_start3A, %dma_start3A_37] : memref<100000x768xf32, #tpu.memory_space<hbm>> -> memref<100000x768xf32, #tpu.memory_space<hbm>>
    tpu.enqueue_indirect_dma source(%dma_start3A_38 : memref<100000x768xf32, #tpu.memory_space<hbm>>) target(%arg7 : memref<64x768xf32, #tpu.memory_space<vmem>>) offsets(%arg5 : memref<64xi32, #tpu.memory_space<vmem>>) semaphore(%arg9 : memref<!tpu.dma_semaphore, #tpu.memory_space<semaphore_mem>>)
    %add3A_39 = arith.constant 64 : i32
    %add3A_40 = arith.addi %mul3A_32, %add3A_39 : i32
    "tpu.region"() ({
      %run_scoped3A = tpu.sem_alloc : memref<!tpu.dma_semaphore, #tpu.memory_space<semaphore_mem>>
      %dma_start3A_53 = tpu.memref_slice %arg2[%select_n3A, %add3A_40] : memref<2x2048xi32, #tpu.memory_space<hbm>> -> memref<1x64xi32, #tpu.memory_space<hbm>>
      %dma_start3A_54 = tpu.memref_squeeze %dma_start3A_53 : memref<1x64xi32, #tpu.memory_space<hbm>> -> memref<64xi32, #tpu.memory_space<hbm>>
      %dma_start3A_55 = tpu.memref_slice %arg2[%select_n3A, %add3A_40] : memref<2x2048xi32, #tpu.memory_space<hbm>> -> memref<1x64xi32, #tpu.memory_space<hbm>>
      %dma_start3A_56 = tpu.memref_squeeze %dma_start3A_55 : memref<1x64xi32, #tpu.memory_space<hbm>> -> memref<64xi32, #tpu.memory_space<hbm>>
      tpu.enqueue_dma source(%dma_start3A_56 : memref<64xi32, #tpu.memory_space<hbm>>) target(%arg6 : memref<64xi32, #tpu.memory_space<vmem>>) target_semaphore(%run_scoped3A : memref<!tpu.dma_semaphore, #tpu.memory_space<semaphore_mem>>)
      %dma_wait3A_57 = tpu.memref_slice %arg2[%select_n3A, %add3A_40] : memref<2x2048xi32, #tpu.memory_space<hbm>> -> memref<1x64xi32, #tpu.memory_space<hbm>>
      %dma_wait3A_58 = tpu.memref_squeeze %dma_wait3A_57 : memref<1x64xi32, #tpu.memory_space<hbm>> -> memref<64xi32, #tpu.memory_space<hbm>>
      %dma_wait3A_59 = tpu.memref_slice %arg2[%select_n3A, %add3A_40] : memref<2x2048xi32, #tpu.memory_space<hbm>> -> memref<1x64xi32, #tpu.memory_space<hbm>>
      %dma_wait3A_60 = tpu.memref_squeeze %dma_wait3A_59 : memref<1x64xi32, #tpu.memory_space<hbm>> -> memref<64xi32, #tpu.memory_space<hbm>>
      tpu.wait_dma2 semaphore(%run_scoped3A : memref<!tpu.dma_semaphore, #tpu.memory_space<semaphore_mem>>) src(%dma_wait3A_60 : memref<64xi32, #tpu.memory_space<hbm>>) dst(%arg6 : memref<64xi32, #tpu.memory_space<vmem>>)
      tpu.yield
    }) : () -> ()
    %dma_start3A_41 = arith.constant 0 : i32
    %dma_start3A_42 = arith.constant 0 : i32
    %dma_start3A_43 = tpu.memref_slice %arg3[%dma_start3A_41, %dma_start3A_42] : memref<100000x768xf32, #tpu.memory_space<hbm>> -> memref<100000x768xf32, #tpu.memory_space<hbm>>
    tpu.enqueue_indirect_dma source(%dma_start3A_43 : memref<100000x768xf32, #tpu.memory_space<hbm>>) target(%arg8 : memref<64x768xf32, #tpu.memory_space<vmem>>) offsets(%arg6 : memref<64xi32, #tpu.memory_space<vmem>>) semaphore(%arg10 : memref<!tpu.dma_semaphore, #tpu.memory_space<semaphore_mem>>)
    %dma_wait3A = arith.constant 0 : i32
    %dma_wait3A_44 = arith.constant 0 : i32
    %dma_wait3A_45 = tpu.memref_slice %arg3[%dma_wait3A, %dma_wait3A_44] : memref<100000x768xf32, #tpu.memory_space<hbm>> -> memref<100000x768xf32, #tpu.memory_space<hbm>>
    tpu.wait_indirect_dma semaphore(%arg9 : memref<!tpu.dma_semaphore, #tpu.memory_space<semaphore_mem>>) src(%dma_wait3A_45 : memref<100000x768xf32, #tpu.memory_space<hbm>>) dst(%arg7 : memref<64x768xf32, #tpu.memory_space<vmem>>)
    %add3A_46 = arith.constant 0 : i32
    %add3A_47 = arith.addi %mul3A_34, %add3A_46 : i32
    "tpu.region"() ({
      %run_scoped3A = tpu.sem_alloc : memref<!tpu.dma_semaphore, #tpu.memory_space<semaphore_mem>>
      %dma_start3A_53 = arith.constant 0 : i32
      %dma_start3A_54 = tpu.memref_slice %arg4[%add3A_47, %dma_start3A_53] : memref<4096x768xf32, #tpu.memory_space<hbm>> -> memref<64x768xf32, #tpu.memory_space<hbm>>
      %dma_start3A_55 = arith.constant 0 : i32
      %dma_start3A_56 = tpu.memref_slice %arg4[%add3A_47, %dma_start3A_55] : memref<4096x768xf32, #tpu.memory_space<hbm>> -> memref<64x768xf32, #tpu.memory_space<hbm>>
      tpu.enqueue_dma source(%arg7 : memref<64x768xf32, #tpu.memory_space<vmem>>) target(%dma_start3A_56 : memref<64x768xf32, #tpu.memory_space<hbm>>) target_semaphore(%run_scoped3A : memref<!tpu.dma_semaphore, #tpu.memory_space<semaphore_mem>>)
      %dma_wait3A_57 = arith.constant 0 : i32
      %dma_wait3A_58 = tpu.memref_slice %arg4[%add3A_47, %dma_wait3A_57] : memref<4096x768xf32, #tpu.memory_space<hbm>> -> memref<64x768xf32, #tpu.memory_space<hbm>>
      %dma_wait3A_59 = arith.constant 0 : i32
      %dma_wait3A_60 = tpu.memref_slice %arg4[%add3A_47, %dma_wait3A_59] : memref<4096x768xf32, #tpu.memory_space<hbm>> -> memref<64x768xf32, #tpu.memory_space<hbm>>
      tpu.wait_dma2 semaphore(%run_scoped3A : memref<!tpu.dma_semaphore, #tpu.memory_space<semaphore_mem>>) src(%arg7 : memref<64x768xf32, #tpu.memory_space<vmem>>) dst(%dma_wait3A_60 : memref<64x768xf32, #tpu.memory_space<hbm>>)
      tpu.yield
    }) : () -> ()
    %dma_wait3A_48 = arith.constant 0 : i32
    %dma_wait3A_49 = arith.constant 0 : i32
    %dma_wait3A_50 = tpu.memref_slice %arg3[%dma_wait3A_48, %dma_wait3A_49] : memref<100000x768xf32, #tpu.memory_space<hbm>> -> memref<100000x768xf32, #tpu.memory_space<hbm>>
    tpu.wait_indirect_dma semaphore(%arg10 : memref<!tpu.dma_semaphore, #tpu.memory_space<semaphore_mem>>) src(%dma_wait3A_50 : memref<100000x768xf32, #tpu.memory_space<hbm>>) dst(%arg8 : memref<64x768xf32, #tpu.memory_space<vmem>>)
    %add3A_51 = arith.constant 64 : i32
    %add3A_52 = arith.addi %mul3A_34, %add3A_51 : i32
    "tpu.region"() ({
      %run_scoped3A = tpu.sem_alloc : memref<!tpu.dma_semaphore, #tpu.memory_space<semaphore_mem>>
      %dma_start3A_53 = arith.constant 0 : i32
      %dma_start3A_54 = tpu.memref_slice %arg4[%add3A_52, %dma_start3A_53] : memref<4096x768xf32, #tpu.memory_space<hbm>> -> memref<64x768xf32, #tpu.memory_space<hbm>>
      %dma_start3A_55 = arith.constant 0 : i32
      %dma_start3A_56 = tpu.memref_slice %arg4[%add3A_52, %dma_start3A_55] : memref<4096x768xf32, #tpu.memory_space<hbm>> -> memref<64x768xf32, #tpu.memory_space<hbm>>
      tpu.enqueue_dma source(%arg8 : memref<64x768xf32, #tpu.memory_space<vmem>>) target(%dma_start3A_56 : memref<64x768xf32, #tpu.memory_space<hbm>>) target_semaphore(%run_scoped3A : memref<!tpu.dma_semaphore, #tpu.memory_space<semaphore_mem>>)
      %dma_wait3A_57 = arith.constant 0 : i32
      %dma_wait3A_58 = tpu.memref_slice %arg4[%add3A_52, %dma_wait3A_57] : memref<4096x768xf32, #tpu.memory_space<hbm>> -> memref<64x768xf32, #tpu.memory_space<hbm>>
      %dma_wait3A_59 = arith.constant 0 : i32
      %dma_wait3A_60 = tpu.memref_slice %arg4[%add3A_52, %dma_wait3A_59] : memref<4096x768xf32, #tpu.memory_space<hbm>> -> memref<64x768xf32, #tpu.memory_space<hbm>>
      tpu.wait_dma2 semaphore(%run_scoped3A : memref<!tpu.dma_semaphore, #tpu.memory_space<semaphore_mem>>) src(%arg8 : memref<64x768xf32, #tpu.memory_space<vmem>>) dst(%dma_wait3A_60 : memref<64x768xf32, #tpu.memory_space<hbm>>)
      tpu.yield
    }) : () -> ()
    return
  }
}

#map = affine_map<(d0, d1) -> (0, 0)>
module attributes {stable_mosaic.version = 14 : i64} {
  func.func @_sc_gather_body(%arg0: i32, %arg1: i32, %arg2: memref<2x2048xi32, #tpu.memory_space<hbm>>, %arg3: memref<100000x768xf32, #tpu.memory_space<hbm>>, %arg4: memref<4096x768xf32, #tpu.memory_space<hbm>>, %arg5: memref<64xi32, #tpu.memory_space<vmem>>, %arg6: memref<64xi32, #tpu.memory_space<vmem>>, %arg7: memref<64x768xf32, #tpu.memory_space<vmem>>, %arg8: memref<64x768xf32, #tpu.memory_space<vmem>>, %arg9: memref<!tpu.dma_semaphore, #tpu.memory_space<semaphore_mem>>, %arg10: memref<!tpu.dma_semaphore, #tpu.memory_space<semaphore_mem>>) attributes {dimension_semantics = [#tpu.dimension_semantics<core_parallel>, #tpu.dimension_semantics<subcore_parallel>], iteration_bounds = array<i64: 2, 16>, scalar_prefetch = 0 : i64, scratch_operands = 6 : i64, tpu.core_type = #tpu.core_type<sc_vector_subcore>, window_params = [{transform_indices = #map}, {transform_indices = #map}, {transform_indices = #map}]} {
    %mul3A = arith.constant 2 : i32
    %mul3A_0 = arith.muli %arg1, %mul3A : i32
    %add3A = arith.addi %mul3A_0, %arg0 : i32
    %jit3A = arith.constant 16 : i32
    %div3A = arith.divsi %add3A, %jit3A : i32
    %sign3A = arith.constant 0 : i32
    %sign3A_1 = arith.cmpi sgt, %add3A, %sign3A : i32
    %sign3A_2 = arith.extui %sign3A_1 : i1 to i32
    %sign3A_3 = arith.constant 0 : i32
    %sign3A_4 = arith.cmpi slt, %add3A, %sign3A_3 : i32
    %sign3A_5 = arith.extui %sign3A_4 : i1 to i32
    %sign3A_6 = arith.subi %sign3A_2, %sign3A_5 : i32
    %sign3A_7 = arith.constant 0 : i32
    %sign3A_8 = arith.cmpi sgt, %jit3A, %sign3A_7 : i32
    %sign3A_9 = arith.extui %sign3A_8 : i1 to i32
    %sign3A_10 = arith.constant 0 : i32
    %sign3A_11 = arith.cmpi slt, %jit3A, %sign3A_10 : i32
    %sign3A_12 = arith.extui %sign3A_11 : i1 to i32
    %sign3A_13 = arith.subi %sign3A_9, %sign3A_12 : i32
    %ne3A = arith.cmpi ne, %sign3A_6, %sign3A_13 : i32
    %rem3A = arith.remsi %add3A, %jit3A : i32
    %ne3A_14 = arith.constant 0 : i32
    %ne3A_15 = arith.cmpi ne, %rem3A, %ne3A_14 : i32
    %and3A = arith.andi %ne3A, %ne3A_15 : i1
    %sub3A = arith.constant 1 : i32
    %sub3A_16 = arith.subi %div3A, %sub3A : i32
    %select_n3A = arith.select %and3A, %sub3A_16, %div3A : i32
    %jit3A_17 = arith.constant 16 : i32
    %eq3A = arith.constant 0 : i32
    %eq3A_18 = arith.cmpi eq, %jit3A_17, %eq3A : i32
    %jit3A_19 = arith.constant 1 : i32
    %select_n3A_20 = arith.select %eq3A_18, %jit3A_19, %jit3A_17 : i32
    %rem3A_21 = arith.remsi %add3A, %select_n3A_20 : i32
    %ne3A_22 = arith.constant 0 : i32
    %ne3A_23 = arith.cmpi ne, %rem3A_21, %ne3A_22 : i32
    %lt3A = arith.constant 0 : i32
    %lt3A_24 = arith.cmpi slt, %rem3A_21, %lt3A : i32
    %lt3A_25 = arith.constant 0 : i32
    %lt3A_26 = arith.cmpi slt, %select_n3A_20, %lt3A_25 : i32
    %ne3A_27 = arith.xori %lt3A_24, %lt3A_26 : i1
    %and3A_28 = arith.andi %ne3A_27, %ne3A_23 : i1
    %add3A_29 = arith.addi %rem3A_21, %select_n3A_20 : i32
    %select_n3A_30 = arith.select %and3A_28, %add3A_29, %rem3A_21 : i32
    %mul3A_31 = arith.constant 128 : i32
    %mul3A_32 = arith.muli %select_n3A_30, %mul3A_31 : i32
    %mul3A_33 = arith.constant 128 : i32
    %mul3A_34 = arith.muli %add3A, %mul3A_33 : i32
    %add3A_35 = arith.constant 0 : i32
    %add3A_36 = arith.addi %mul3A_32, %add3A_35 : i32
    "tpu.region"() ({
      %run_scoped3A = tpu.sem_alloc : memref<!tpu.dma_semaphore, #tpu.memory_space<semaphore_mem>>
      %dma_start3A_53 = tpu.memref_slice %arg2[%select_n3A, %add3A_36] : memref<2x2048xi32, #tpu.memory_space<hbm>> -> memref<1x64xi32, #tpu.memory_space<hbm>>
      %dma_start3A_54 = tpu.memref_squeeze %dma_start3A_53 : memref<1x64xi32, #tpu.memory_space<hbm>> -> memref<64xi32, #tpu.memory_space<hbm>>
      %dma_start3A_55 = tpu.memref_slice %arg2[%select_n3A, %add3A_36] : memref<2x2048xi32, #tpu.memory_space<hbm>> -> memref<1x64xi32, #tpu.memory_space<hbm>>
      %dma_start3A_56 = tpu.memref_squeeze %dma_start3A_55 : memref<1x64xi32, #tpu.memory_space<hbm>> -> memref<64xi32, #tpu.memory_space<hbm>>
      tpu.enqueue_dma source(%dma_start3A_56 : memref<64xi32, #tpu.memory_space<hbm>>) target(%arg5 : memref<64xi32, #tpu.memory_space<vmem>>) target_semaphore(%run_scoped3A : memref<!tpu.dma_semaphore, #tpu.memory_space<semaphore_mem>>)
      %dma_wait3A_57 = tpu.memref_slice %arg2[%select_n3A, %add3A_36] : memref<2x2048xi32, #tpu.memory_space<hbm>> -> memref<1x64xi32, #tpu.memory_space<hbm>>
      %dma_wait3A_58 = tpu.memref_squeeze %dma_wait3A_57 : memref<1x64xi32, #tpu.memory_space<hbm>> -> memref<64xi32, #tpu.memory_space<hbm>>
      %dma_wait3A_59 = tpu.memref_slice %arg2[%select_n3A, %add3A_36] : memref<2x2048xi32, #tpu.memory_space<hbm>> -> memref<1x64xi32, #tpu.memory_space<hbm>>
      %dma_wait3A_60 = tpu.memref_squeeze %dma_wait3A_59 : memref<1x64xi32, #tpu.memory_space<hbm>> -> memref<64xi32, #tpu.memory_space<hbm>>
      tpu.wait_dma2 semaphore(%run_scoped3A : memref<!tpu.dma_semaphore, #tpu.memory_space<semaphore_mem>>) src(%dma_wait3A_60 : memref<64xi32, #tpu.memory_space<hbm>>) dst(%arg5 : memref<64xi32, #tpu.memory_space<vmem>>)
      tpu.yield
    }) : () -> ()
    %dma_start3A = arith.constant 0 : i32
    %dma_start3A_37 = arith.constant 0 : i32
    %dma_start3A_38 = tpu.memref_slice %arg3[%dma_start3A, %dma_start3A_37] : memref<100000x768xf32, #tpu.memory_space<hbm>> -> memref<100000x768xf32, #tpu.memory_space<hbm>>
    tpu.enqueue_indirect_dma source(%dma_start3A_38 : memref<100000x768xf32, #tpu.memory_space<hbm>>) target(%arg7 : memref<64x768xf32, #tpu.memory_space<vmem>>) offsets(%arg5 : memref<64xi32, #tpu.memory_space<vmem>>) semaphore(%arg9 : memref<!tpu.dma_semaphore, #tpu.memory_space<semaphore_mem>>)
    %add3A_39 = arith.constant 64 : i32
    %add3A_40 = arith.addi %mul3A_32, %add3A_39 : i32
    "tpu.region"() ({
      %run_scoped3A = tpu.sem_alloc : memref<!tpu.dma_semaphore, #tpu.memory_space<semaphore_mem>>
      %dma_start3A_53 = tpu.memref_slice %arg2[%select_n3A, %add3A_40] : memref<2x2048xi32, #tpu.memory_space<hbm>> -> memref<1x64xi32, #tpu.memory_space<hbm>>
      %dma_start3A_54 = tpu.memref_squeeze %dma_start3A_53 : memref<1x64xi32, #tpu.memory_space<hbm>> -> memref<64xi32, #tpu.memory_space<hbm>>
      %dma_start3A_55 = tpu.memref_slice %arg2[%select_n3A, %add3A_40] : memref<2x2048xi32, #tpu.memory_space<hbm>> -> memref<1x64xi32, #tpu.memory_space<hbm>>
      %dma_start3A_56 = tpu.memref_squeeze %dma_start3A_55 : memref<1x64xi32, #tpu.memory_space<hbm>> -> memref<64xi32, #tpu.memory_space<hbm>>
      tpu.enqueue_dma source(%dma_start3A_56 : memref<64xi32, #tpu.memory_space<hbm>>) target(%arg6 : memref<64xi32, #tpu.memory_space<vmem>>) target_semaphore(%run_scoped3A : memref<!tpu.dma_semaphore, #tpu.memory_space<semaphore_mem>>)
      %dma_wait3A_57 = tpu.memref_slice %arg2[%select_n3A, %add3A_40] : memref<2x2048xi32, #tpu.memory_space<hbm>> -> memref<1x64xi32, #tpu.memory_space<hbm>>
      %dma_wait3A_58 = tpu.memref_squeeze %dma_wait3A_57 : memref<1x64xi32, #tpu.memory_space<hbm>> -> memref<64xi32, #tpu.memory_space<hbm>>
      %dma_wait3A_59 = tpu.memref_slice %arg2[%select_n3A, %add3A_40] : memref<2x2048xi32, #tpu.memory_space<hbm>> -> memref<1x64xi32, #tpu.memory_space<hbm>>
      %dma_wait3A_60 = tpu.memref_squeeze %dma_wait3A_59 : memref<1x64xi32, #tpu.memory_space<hbm>> -> memref<64xi32, #tpu.memory_space<hbm>>
      tpu.wait_dma2 semaphore(%run_scoped3A : memref<!tpu.dma_semaphore, #tpu.memory_space<semaphore_mem>>) src(%dma_wait3A_60 : memref<64xi32, #tpu.memory_space<hbm>>) dst(%arg6 : memref<64xi32, #tpu.memory_space<vmem>>)
      tpu.yield
    }) : () -> ()
    %dma_start3A_41 = arith.constant 0 : i32
    %dma_start3A_42 = arith.constant 0 : i32
    %dma_start3A_43 = tpu.memref_slice %arg3[%dma_start3A_41, %dma_start3A_42] : memref<100000x768xf32, #tpu.memory_space<hbm>> -> memref<100000x768xf32, #tpu.memory_space<hbm>>
    tpu.enqueue_indirect_dma source(%dma_start3A_43 : memref<100000x768xf32, #tpu.memory_space<hbm>>) target(%arg8 : memref<64x768xf32, #tpu.memory_space<vmem>>) offsets(%arg6 : memref<64xi32, #tpu.memory_space<vmem>>) semaphore(%arg10 : memref<!tpu.dma_semaphore, #tpu.memory_space<semaphore_mem>>)
    %dma_wait3A = arith.constant 0 : i32
    %dma_wait3A_44 = arith.constant 0 : i32
    %dma_wait3A_45 = tpu.memref_slice %arg3[%dma_wait3A, %dma_wait3A_44] : memref<100000x768xf32, #tpu.memory_space<hbm>> -> memref<100000x768xf32, #tpu.memory_space<hbm>>
    tpu.wait_indirect_dma semaphore(%arg9 : memref<!tpu.dma_semaphore, #tpu.memory_space<semaphore_mem>>) src(%dma_wait3A_45 : memref<100000x768xf32, #tpu.memory_space<hbm>>) dst(%arg7 : memref<64x768xf32, #tpu.memory_space<vmem>>)
    %add3A_46 = arith.constant 0 : i32
    %add3A_47 = arith.addi %mul3A_34, %add3A_46 : i32
    "tpu.region"() ({
      %run_scoped3A = tpu.sem_alloc : memref<!tpu.dma_semaphore, #tpu.memory_space<semaphore_mem>>
      %dma_start3A_53 = arith.constant 0 : i32
      %dma_start3A_54 = tpu.memref_slice %arg4[%add3A_47, %dma_start3A_53] : memref<4096x768xf32, #tpu.memory_space<hbm>> -> memref<64x768xf32, #tpu.memory_space<hbm>>
      %dma_start3A_55 = arith.constant 0 : i32
      %dma_start3A_56 = tpu.memref_slice %arg4[%add3A_47, %dma_start3A_55] : memref<4096x768xf32, #tpu.memory_space<hbm>> -> memref<64x768xf32, #tpu.memory_space<hbm>>
      tpu.enqueue_dma source(%arg7 : memref<64x768xf32, #tpu.memory_space<vmem>>) target(%dma_start3A_56 : memref<64x768xf32, #tpu.memory_space<hbm>>) target_semaphore(%run_scoped3A : memref<!tpu.dma_semaphore, #tpu.memory_space<semaphore_mem>>)
      %dma_wait3A_57 = arith.constant 0 : i32
      %dma_wait3A_58 = tpu.memref_slice %arg4[%add3A_47, %dma_wait3A_57] : memref<4096x768xf32, #tpu.memory_space<hbm>> -> memref<64x768xf32, #tpu.memory_space<hbm>>
      %dma_wait3A_59 = arith.constant 0 : i32
      %dma_wait3A_60 = tpu.memref_slice %arg4[%add3A_47, %dma_wait3A_59] : memref<4096x768xf32, #tpu.memory_space<hbm>> -> memref<64x768xf32, #tpu.memory_space<hbm>>
      tpu.wait_dma2 semaphore(%run_scoped3A : memref<!tpu.dma_semaphore, #tpu.memory_space<semaphore_mem>>) src(%arg7 : memref<64x768xf32, #tpu.memory_space<vmem>>) dst(%dma_wait3A_60 : memref<64x768xf32, #tpu.memory_space<hbm>>)
      tpu.yield
    }) : () -> ()
    %dma_wait3A_48 = arith.constant 0 : i32
    %dma_wait3A_49 = arith.constant 0 : i32
    %dma_wait3A_50 = tpu.memref_slice %arg3[%dma_wait3A_48, %dma_wait3A_49] : memref<100000x768xf32, #tpu.memory_space<hbm>> -> memref<100000x768xf32, #tpu.memory_space<hbm>>
    tpu.wait_indirect_dma semaphore(%arg10 : memref<!tpu.dma_semaphore, #tpu.memory_space<semaphore_mem>>) src(%dma_wait3A_50 : memref<100000x768xf32, #tpu.memory_space<hbm>>) dst(%arg8 : memref<64x768xf32, #tpu.memory_space<vmem>>)
    %add3A_51 = arith.constant 64 : i32
    %add3A_52 = arith.addi %mul3A_34, %add3A_51 : i32
    "tpu.region"() ({
      %run_scoped3A = tpu.sem_alloc : memref<!tpu.dma_semaphore, #tpu.memory_space<semaphore_mem>>
      %dma_start3A_53 = arith.constant 0 : i32
      %dma_start3A_54 = tpu.memref_slice %arg4[%add3A_52, %dma_start3A_53] : memref<4096x768xf32, #tpu.memory_space<hbm>> -> memref<64x768xf32, #tpu.memory_space<hbm>>
      %dma_start3A_55 = arith.constant 0 : i32
      %dma_start3A_56 = tpu.memref_slice %arg4[%add3A_52, %dma_start3A_55] : memref<4096x768xf32, #tpu.memory_space<hbm>> -> memref<64x768xf32, #tpu.memory_space<hbm>>
      tpu.enqueue_dma source(%arg8 : memref<64x768xf32, #tpu.memory_space<vmem>>) target(%dma_start3A_56 : memref<64x768xf32, #tpu.memory_space<hbm>>) target_semaphore(%run_scoped3A : memref<!tpu.dma_semaphore, #tpu.memory_space<semaphore_mem>>)
      %dma_wait3A_57 = arith.constant 0 : i32
      %dma_wait3A_58 = tpu.memref_slice %arg4[%add3A_52, %dma_wait3A_57] : memref<4096x768xf32, #tpu.memory_space<hbm>> -> memref<64x768xf32, #tpu.memory_space<hbm>>
      %dma_wait3A_59 = arith.constant 0 : i32
      %dma_wait3A_60 = tpu.memref_slice %arg4[%add3A_52, %dma_wait3A_59] : memref<4096x768xf32, #tpu.memory_space<hbm>> -> memref<64x768xf32, #tpu.memory_space<hbm>>
      tpu.wait_dma2 semaphore(%run_scoped3A : memref<!tpu.dma_semaphore, #tpu.memory_space<semaphore_mem>>) src(%arg8 : memref<64x768xf32, #tpu.memory_space<vmem>>) dst(%dma_wait3A_60 : memref<64x768xf32, #tpu.memory_space<hbm>>)
      tpu.yield
    }) : () -> ()
    return
  }
}

module attributes {stable_mosaic.version = 14 : i64} {
  func.func @_tc_ln_body(%arg0: i32, %arg1: memref<2048x768xf32, #tpu.memory_space<vmem>>, %arg2: memref<1x1x2048xi32, #tpu.memory_space<vmem>>, %arg3: memref<2048x768xf32, #tpu.memory_space<vmem>>, %arg4: memref<2x768xf32, #tpu.memory_space<vmem>>, %arg5: memref<1x768xf32, #tpu.memory_space<vmem>>, %arg6: memref<1x768xf32, #tpu.memory_space<vmem>>, %arg7: memref<2048x768xf32, #tpu.memory_space<vmem>>, %arg8: memref<2048x768xf32, #tpu.memory_space<vmem>>) attributes {dimension_semantics = [#tpu.dimension_semantics<arbitrary>], iteration_bounds = array<i64: 2>, scalar_prefetch = 0 : i64, scratch_operands = 0 : i64, tpu.core_type = #tpu.core_type<tc>, window_params = [{transform_indices = @transform_0, window_bounds = array<i64: 2048, 768>}, {transform_indices = @transform_1, window_bounds = array<i64: 1, 1, 2048>}, {pipeline_mode = #tpu.pipeline_mode<synchronous>, transform_indices = @transform_2, window_bounds = array<i64: 2048, 768>}, {pipeline_mode = #tpu.pipeline_mode<synchronous>, transform_indices = @transform_3, window_bounds = array<i64: 2, 768>}, {pipeline_mode = #tpu.pipeline_mode<synchronous>, transform_indices = @transform_4, window_bounds = array<i64: 1, 768>}, {pipeline_mode = #tpu.pipeline_mode<synchronous>, transform_indices = @transform_5, window_bounds = array<i64: 1, 768>}, {transform_indices = @transform_6, window_bounds = array<i64: 2048, 768>}, {transform_indices = @transform_7, window_bounds = array<i64: 2048, 768>}]} {
    %get3A = arith.constant 0 : index
    %get3A_0 = arith.constant 0 : index
    %get3A_1 = vector.load %arg1[%get3A, %get3A_0] : memref<2048x768xf32, #tpu.memory_space<vmem>>, vector<2048x768xf32>
    %get3A_2 = arith.constant 0 : index
    %get3A_3 = arith.constant 0 : index
    %get3A_4 = vector.load %arg3[%get3A_2, %get3A_3] : memref<2048x768xf32, #tpu.memory_space<vmem>>, vector<2048x768xf32>
    %add3A = arith.addf %get3A_1, %get3A_4 : vector<2048x768xf32>
    %get3A_5 = arith.constant 0 : index
    %get3A_6 = arith.constant 0 : index
    %get3A_7 = arith.constant 0 : index
    %get3A_8 = vector.load %arg2[%get3A_5, %get3A_6, %get3A_7] : memref<1x1x2048xi32, #tpu.memory_space<vmem>>, vector<1x1x2048xi32>
    %reshape3A = vector.shape_cast %get3A_8 : vector<1x1x2048xi32> to vector<2048x1xi32>
    %convert_element_type3A = arith.sitofp %reshape3A : vector<2048x1xi32> to vector<2048x1xf32>
    %get3A_9 = arith.constant 0 : index
    %get3A_10 = arith.constant 0 : index
    %get3A_11 = vector.load %arg4[%get3A_9, %get3A_10] : memref<2x768xf32, #tpu.memory_space<vmem>>, vector<1x768xf32>
    %get3A_12 = arith.constant 1 : index
    %get3A_13 = arith.constant 0 : index
    %get3A_14 = vector.load %arg4[%get3A_12, %get3A_13] : memref<2x768xf32, #tpu.memory_space<vmem>>, vector<1x768xf32>
    %add3A_15 = vector.broadcast %get3A_11 : vector<1x768xf32> to vector<2048x768xf32>
    %add3A_16 = arith.addf %add3A, %add3A_15 : vector<2048x768xf32>
    %sub3A = arith.subf %get3A_14, %get3A_11 : vector<1x768xf32>
    %mul3A = vector.broadcast %convert_element_type3A : vector<2048x1xf32> to vector<2048x768xf32>
    %mul3A_17 = vector.broadcast %sub3A : vector<1x768xf32> to vector<2048x768xf32>
    %mul3A_18 = arith.mulf %mul3A, %mul3A_17 : vector<2048x768xf32>
    %add3A_19 = arith.addf %add3A_16, %mul3A_18 : vector<2048x768xf32>
    %reduce_sum3A = arith.constant dense<0.000000e+00> : vector<2048xf32>
    %reduce_sum3A_20 = vector.multi_reduction <add>, %add3A_19, %reduce_sum3A [1] : vector<2048x768xf32> to vector<2048xf32>
    %broadcast_in_dim3A = vector.shape_cast %reduce_sum3A_20 : vector<2048xf32> to vector<2048x1xf32>
    %div3A = arith.constant 7.680000e+02 : f32
    %div3A_21 = vector.broadcast %div3A : f32 to vector<2048x1xf32>
    %div3A_22 = arith.divf %broadcast_in_dim3A, %div3A_21 : vector<2048x1xf32>
    %sub3A_23 = vector.broadcast %div3A_22 : vector<2048x1xf32> to vector<2048x768xf32>
    %sub3A_24 = arith.subf %add3A_19, %sub3A_23 : vector<2048x768xf32>
    %mul3A_25 = arith.mulf %sub3A_24, %sub3A_24 : vector<2048x768xf32>
    %reduce_sum3A_26 = arith.constant dense<0.000000e+00> : vector<2048xf32>
    %reduce_sum3A_27 = vector.multi_reduction <add>, %mul3A_25, %reduce_sum3A_26 [1] : vector<2048x768xf32> to vector<2048xf32>
    %broadcast_in_dim3A_28 = vector.shape_cast %reduce_sum3A_27 : vector<2048xf32> to vector<2048x1xf32>
    %div3A_29 = arith.constant 7.680000e+02 : f32
    %div3A_30 = vector.broadcast %div3A_29 : f32 to vector<2048x1xf32>
    %div3A_31 = arith.divf %broadcast_in_dim3A_28, %div3A_30 : vector<2048x1xf32>
    %add3A_32 = arith.constant 9.99999996E-13 : f32
    %add3A_33 = vector.broadcast %add3A_32 : f32 to vector<2048x1xf32>
    %add3A_34 = arith.addf %div3A_31, %add3A_33 : vector<2048x1xf32>
    %rsqrt3A = math.rsqrt %add3A_34 : vector<2048x1xf32>
    %mul3A_35 = vector.broadcast %rsqrt3A : vector<2048x1xf32> to vector<2048x768xf32>
    %mul3A_36 = arith.mulf %sub3A_24, %mul3A_35 : vector<2048x768xf32>
    %get3A_37 = arith.constant 0 : index
    %get3A_38 = arith.constant 0 : index
    %get3A_39 = vector.load %arg5[%get3A_37, %get3A_38] : memref<1x768xf32, #tpu.memory_space<vmem>>, vector<1x768xf32>
    %mul3A_40 = vector.broadcast %get3A_39 : vector<1x768xf32> to vector<2048x768xf32>
    %mul3A_41 = arith.mulf %mul3A_36, %mul3A_40 : vector<2048x768xf32>
    %get3A_42 = arith.constant 0 : index
    %get3A_43 = arith.constant 0 : index
    %get3A_44 = vector.load %arg6[%get3A_42, %get3A_43] : memref<1x768xf32, #tpu.memory_space<vmem>>, vector<1x768xf32>
    %add3A_45 = vector.broadcast %get3A_44 : vector<1x768xf32> to vector<2048x768xf32>
    %add3A_46 = arith.addf %mul3A_41, %add3A_45 : vector<2048x768xf32>
    %swap3A = arith.constant 0 : index
    %swap3A_47 = arith.constant 0 : index
    %swap3A_48 = vector.load %arg8[%swap3A, %swap3A_47] : memref<2048x768xf32, #tpu.memory_space<vmem>>, vector<2048x768xf32>
    tpu.vector_store %arg8[%swap3A, %swap3A_47], %add3A_46 {strides = array<i32>} : memref<2048x768xf32, #tpu.memory_space<vmem>>, vector<2048x768xf32>,
    return
  }
  func.func @transform_0(%arg0: i32) -> (i32, i32) {
    %c0_i32 = arith.constant 0 : i32
    %c0_i32_0 = arith.constant 0 : i32
    return %arg0, %c0_i32 : i32, i32
  }
  func.func @transform_1(%arg0: i32) -> (i32, i32, i32) {
    %add3A = arith.constant 2 : i32
    %add3A_0 = arith.addi %add3A, %arg0 : i32
    %c0_i32 = arith.constant 0 : i32
    %c0_i32_1 = arith.constant 0 : i32
    %c0_i32_2 = arith.constant 0 : i32
    return %add3A_0, %c0_i32, %c0_i32_1 : i32, i32, i32
  }
  func.func @transform_2(%arg0: i32) -> (i32, i32) {
    %c0_i32 = arith.constant 0 : i32
    %c0_i32_0 = arith.constant 0 : i32
    %c0_i32_1 = arith.constant 0 : i32
    return %c0_i32, %c0_i32_0 : i32, i32
  }
  func.func @transform_3(%arg0: i32) -> (i32, i32) {
    %c0_i32 = arith.constant 0 : i32
    %c0_i32_0 = arith.constant 0 : i32
    %c0_i32_1 = arith.constant 0 : i32
    return %c0_i32, %c0_i32_0 : i32, i32
  }
  func.func @transform_4(%arg0: i32) -> (i32, i32) {
    %c0_i32 = arith.constant 0 : i32
    %c0_i32_0 = arith.constant 0 : i32
    %c0_i32_1 = arith.constant 0 : i32
    return %c0_i32, %c0_i32_0 : i32, i32
  }
  func.func @transform_5(%arg0: i32) -> (i32, i32) {
    %c0_i32 = arith.constant 0 : i32
    %c0_i32_0 = arith.constant 0 : i32
    %c0_i32_1 = arith.constant 0 : i32
    return %c0_i32, %c0_i32_0 : i32, i32
  }
  func.func @transform_6(%arg0: i32) -> (i32, i32) {
    %add3A = arith.constant 2 : i32
    %add3A_0 = arith.addi %add3A, %arg0 : i32
    %c0_i32 = arith.constant 0 : i32
    %c0_i32_1 = arith.constant 0 : i32
    return %add3A_0, %c0_i32 : i32, i32
  }
  func.func @transform_7(%arg0: i32) -> (i32, i32) {
    %add3A = arith.constant 2 : i32
    %add3A_0 = arith.addi %add3A, %arg0 : i32
    %c0_i32 = arith.constant 0 : i32
    %c0_i32_1 = arith.constant 0 : i32
    return %add3A_0, %c0_i32 : i32, i32
  }
}

module attributes {stable_mosaic.version = 14 : i64} {
  func.func @_tc_ln_body(%arg0: i32, %arg1: memref<2048x768xf32, #tpu.memory_space<vmem>>, %arg2: memref<1x1x2048xi32, #tpu.memory_space<vmem>>, %arg3: memref<2048x768xf32, #tpu.memory_space<vmem>>, %arg4: memref<2x768xf32, #tpu.memory_space<vmem>>, %arg5: memref<1x768xf32, #tpu.memory_space<vmem>>, %arg6: memref<1x768xf32, #tpu.memory_space<vmem>>, %arg7: memref<2048x768xf32, #tpu.memory_space<vmem>>) attributes {dimension_semantics = [#tpu.dimension_semantics<arbitrary>], iteration_bounds = array<i64: 2>, scalar_prefetch = 0 : i64, scratch_operands = 0 : i64, tpu.core_type = #tpu.core_type<tc>, window_params = [{transform_indices = @transform_0, window_bounds = array<i64: 2048, 768>}, {transform_indices = @transform_1, window_bounds = array<i64: 1, 1, 2048>}, {pipeline_mode = #tpu.pipeline_mode<synchronous>, transform_indices = @transform_2, window_bounds = array<i64: 2048, 768>}, {pipeline_mode = #tpu.pipeline_mode<synchronous>, transform_indices = @transform_3, window_bounds = array<i64: 2, 768>}, {pipeline_mode = #tpu.pipeline_mode<synchronous>, transform_indices = @transform_4, window_bounds = array<i64: 1, 768>}, {pipeline_mode = #tpu.pipeline_mode<synchronous>, transform_indices = @transform_5, window_bounds = array<i64: 1, 768>}, {transform_indices = @transform_6, window_bounds = array<i64: 2048, 768>}]} {
    %get3A = arith.constant 0 : index
    %get3A_0 = arith.constant 0 : index
    %get3A_1 = vector.load %arg1[%get3A, %get3A_0] : memref<2048x768xf32, #tpu.memory_space<vmem>>, vector<2048x768xf32>
    %get3A_2 = arith.constant 0 : index
    %get3A_3 = arith.constant 0 : index
    %get3A_4 = vector.load %arg3[%get3A_2, %get3A_3] : memref<2048x768xf32, #tpu.memory_space<vmem>>, vector<2048x768xf32>
    %add3A = arith.addf %get3A_1, %get3A_4 : vector<2048x768xf32>
    %get3A_5 = arith.constant 0 : index
    %get3A_6 = arith.constant 0 : index
    %get3A_7 = arith.constant 0 : index
    %get3A_8 = vector.load %arg2[%get3A_5, %get3A_6, %get3A_7] : memref<1x1x2048xi32, #tpu.memory_space<vmem>>, vector<1x1x2048xi32>
    %reshape3A = vector.shape_cast %get3A_8 : vector<1x1x2048xi32> to vector<2048x1xi32>
    %convert_element_type3A = arith.sitofp %reshape3A : vector<2048x1xi32> to vector<2048x1xf32>
    %get3A_9 = arith.constant 0 : index
    %get3A_10 = arith.constant 0 : index
    %get3A_11 = vector.load %arg4[%get3A_9, %get3A_10] : memref<2x768xf32, #tpu.memory_space<vmem>>, vector<1x768xf32>
    %get3A_12 = arith.constant 1 : index
    %get3A_13 = arith.constant 0 : index
    %get3A_14 = vector.load %arg4[%get3A_12, %get3A_13] : memref<2x768xf32, #tpu.memory_space<vmem>>, vector<1x768xf32>
    %add3A_15 = vector.broadcast %get3A_11 : vector<1x768xf32> to vector<2048x768xf32>
    %add3A_16 = arith.addf %add3A, %add3A_15 : vector<2048x768xf32>
    %sub3A = arith.subf %get3A_14, %get3A_11 : vector<1x768xf32>
    %mul3A = vector.broadcast %convert_element_type3A : vector<2048x1xf32> to vector<2048x768xf32>
    %mul3A_17 = vector.broadcast %sub3A : vector<1x768xf32> to vector<2048x768xf32>
    %mul3A_18 = arith.mulf %mul3A, %mul3A_17 : vector<2048x768xf32>
    %add3A_19 = arith.addf %add3A_16, %mul3A_18 : vector<2048x768xf32>
    %reduce_sum3A = arith.constant dense<0.000000e+00> : vector<2048xf32>
    %reduce_sum3A_20 = vector.multi_reduction <add>, %add3A_19, %reduce_sum3A [1] : vector<2048x768xf32> to vector<2048xf32>
    %broadcast_in_dim3A = vector.shape_cast %reduce_sum3A_20 : vector<2048xf32> to vector<2048x1xf32>
    %div3A = arith.constant 7.680000e+02 : f32
    %div3A_21 = vector.broadcast %div3A : f32 to vector<2048x1xf32>
    %div3A_22 = arith.divf %broadcast_in_dim3A, %div3A_21 : vector<2048x1xf32>
    %sub3A_23 = vector.broadcast %div3A_22 : vector<2048x1xf32> to vector<2048x768xf32>
    %sub3A_24 = arith.subf %add3A_19, %sub3A_23 : vector<2048x768xf32>
    %mul3A_25 = arith.mulf %sub3A_24, %sub3A_24 : vector<2048x768xf32>
    %reduce_sum3A_26 = arith.constant dense<0.000000e+00> : vector<2048xf32>
    %reduce_sum3A_27 = vector.multi_reduction <add>, %mul3A_25, %reduce_sum3A_26 [1] : vector<2048x768xf32> to vector<2048xf32>
    %broadcast_in_dim3A_28 = vector.shape_cast %reduce_sum3A_27 : vector<2048xf32> to vector<2048x1xf32>
    %div3A_29 = arith.constant 7.680000e+02 : f32
    %div3A_30 = vector.broadcast %div3A_29 : f32 to vector<2048x1xf32>
    %div3A_31 = arith.divf %broadcast_in_dim3A_28, %div3A_30 : vector<2048x1xf32>
    %add3A_32 = arith.constant 9.99999996E-13 : f32
    %add3A_33 = vector.broadcast %add3A_32 : f32 to vector<2048x1xf32>
    %add3A_34 = arith.addf %div3A_31, %add3A_33 : vector<2048x1xf32>
    %rsqrt3A = math.rsqrt %add3A_34 : vector<2048x1xf32>
    %mul3A_35 = vector.broadcast %rsqrt3A : vector<2048x1xf32> to vector<2048x768xf32>
    %mul3A_36 = arith.mulf %sub3A_24, %mul3A_35 : vector<2048x768xf32>
    %get3A_37 = arith.constant 0 : index
    %get3A_38 = arith.constant 0 : index
    %get3A_39 = vector.load %arg5[%get3A_37, %get3A_38] : memref<1x768xf32, #tpu.memory_space<vmem>>, vector<1x768xf32>
    %mul3A_40 = vector.broadcast %get3A_39 : vector<1x768xf32> to vector<2048x768xf32>
    %mul3A_41 = arith.mulf %mul3A_36, %mul3A_40 : vector<2048x768xf32>
    %get3A_42 = arith.constant 0 : index
    %get3A_43 = arith.constant 0 : index
    %get3A_44 = vector.load %arg6[%get3A_42, %get3A_43] : memref<1x768xf32, #tpu.memory_space<vmem>>, vector<1x768xf32>
    %add3A_45 = vector.broadcast %get3A_44 : vector<1x768xf32> to vector<2048x768xf32>
    %add3A_46 = arith.addf %mul3A_41, %add3A_45 : vector<2048x768xf32>
    %swap3A = arith.constant 0 : index
    %swap3A_47 = arith.constant 0 : index
    %swap3A_48 = vector.load %arg7[%swap3A, %swap3A_47] : memref<2048x768xf32, #tpu.memory_space<vmem>>, vector<2048x768xf32>
    tpu.vector_store %arg7[%swap3A, %swap3A_47], %add3A_46 {strides = array<i32>} : memref<2048x768xf32, #tpu.memory_space<vmem>>, vector<2048x768xf32>,
    return
  }
  func.func @transform_0(%arg0: i32) -> (i32, i32) {
    %c0_i32 = arith.constant 0 : i32
    %c0_i32_0 = arith.constant 0 : i32
    return %arg0, %c0_i32 : i32, i32
  }
  func.func @transform_1(%arg0: i32) -> (i32, i32, i32) {
    %add3A = arith.constant 0 : i32
    %add3A_0 = arith.addi %add3A, %arg0 : i32
    %c0_i32 = arith.constant 0 : i32
    %c0_i32_1 = arith.constant 0 : i32
    %c0_i32_2 = arith.constant 0 : i32
    return %add3A_0, %c0_i32, %c0_i32_1 : i32, i32, i32
  }
  func.func @transform_2(%arg0: i32) -> (i32, i32) {
    %c0_i32 = arith.constant 0 : i32
    %c0_i32_0 = arith.constant 0 : i32
    %c0_i32_1 = arith.constant 0 : i32
    return %c0_i32, %c0_i32_0 : i32, i32
  }
  func.func @transform_3(%arg0: i32) -> (i32, i32) {
    %c0_i32 = arith.constant 0 : i32
    %c0_i32_0 = arith.constant 0 : i32
    %c0_i32_1 = arith.constant 0 : i32
    return %c0_i32, %c0_i32_0 : i32, i32
  }
  func.func @transform_4(%arg0: i32) -> (i32, i32) {
    %c0_i32 = arith.constant 0 : i32
    %c0_i32_0 = arith.constant 0 : i32
    %c0_i32_1 = arith.constant 0 : i32
    return %c0_i32, %c0_i32_0 : i32, i32
  }
  func.func @transform_5(%arg0: i32) -> (i32, i32) {
    %c0_i32 = arith.constant 0 : i32
    %c0_i32_0 = arith.constant 0 : i32
    %c0_i32_1 = arith.constant 0 : i32
    return %c0_i32, %c0_i32_0 : i32, i32
  }
  func.func @transform_6(%arg0: i32) -> (i32, i32) {
    %add3A = arith.constant 0 : i32
    %add3A_0 = arith.addi %add3A, %arg0 : i32
    %c0_i32 = arith.constant 0 : i32
    %c0_i32_1 = arith.constant 0 : i32
    return %add3A_0, %c0_i32 : i32, i32
  }
}

</mosaic_0001>

<sc_bundles>
// kernel: kernel.6.cloned.1.call-start
scs
__scs_entry_jumppad:
0x0: {  	(pc) =	sbr.rel $0x88, $3  }
0x1: {  	(tag) =	ssettag $0x0;
	lr =	simm.s32 $0x1  }
0x2: {  	[smem:$0x3F9A] =	sst lr;
	_ =	strace $0xD0000000  }
0x3: {  	_ = 	snop  }
0x4: {  	_ = 	snop  }
0x5: {  	_ = 	snop  }
0x6: {  	_ = 	snop  }
0x7: {  	_ = 	snop  }
__scs_overlays_trampoline_lowered:
0x8: {  	[smem:$0x3FA9] =	sst s0  }
0x9: {  	[smem:$0x3FAA] =	sst s1  }
0xa: {  	[smem:$0x3FAB] =	sst s2  }
0xb: {  	[smem:$0x3FAC] =	sst s3  }
0xc: {  	[smem:$0x3FAD] =	sst s4  }
0xd: {  	[smem:$0x3FAE] =	sst s5  }
0xe: {  	[smem:$0x3FAF] =	sst s6  }
0xf: {  	[smem:$0x3FB0] =	sst s7  }
0x10: {  	[smem:$0x3FB1] =	sst s8  }
0x11: {  	[smem:$0x3FB2] =	sst s9;
	s0 =	simm.s32 @!p0 $0x0  }
0x12: {  	s1 =	sld [smem:$0x3F98];
	s0 =	simm.s32 @p0 $0x1  }
0x13: {  	[smem:$0x3FB3] =	sst s0;
	s0 =	simm.s32 @!p1 $0x0  }
0x14: {  	s2 =	sld [smem:$0x3F97];
	s0 =	simm.s32 @p1 $0x1  }
0x15: {  	[smem:$0x3FB4] =	sst s0;
	s0 =	simm.s32 @!p2 $0x0  }
0x16: {  	s3 =	sld [smem:$0x3FDB];
	s0 =	simm.s32 @p2 $0x1  }
0x17: {  	s4 =	simm.s32 $0x1BF5;
	[smem:$0x3FB6] =	sst s0  }
0x18: {  	s0 =	sld [smem:$0x3F99];
	_ =	swait.ge [sflag:s4], $0x0  }
0x19: {  	s7 =	sld [smem:$0x3F9A]  }
0x1a: {  	s8 =	sadd.s32 $0xFFFFE003, lr  }
0x1b: {  	s9 =	sadd.s32 $0xFFFFFEF7, lr;
	s5 =	simm.s32 $0xFFFFFFFF;
	p2 =	slt.u32 s8, $0xFFFFF086  }
0x1c: {  	p1 =	slt.u32 s9, $0xF7A;
	s5 =	simm.s32 @!p2 $0x0  }
0x1d: {  	s5 =	simm.s32 @p1 $0x1;
	p0 =	seq.s32 s7, s2  }
0x1e: {  	s7 =	smul.u32 @!p0 $0xF7A, s2;
	p2 =	seq.s32 @!p0 s5, $0x0  }
0x1f: {  	s9 =	smul.u32 $0xF7A, s1;
	s8 =	simm.s32 @!p0 $0x1BF5;
	p2 =	por !p2, p0  }
0x20: {  	[sflag:s8] =	ssyncset.s32 @!p0 $0xFFFFF086;
	s6 =	sadd.s32 @!p0 s3, s7;
	s7 =	simm.s32 @!p0 $0x108  }
0x21: {  	s3 =	sadd.s32 s3, s9;
	s6 =	sadd.s32 @!p0 $0x88, s6;
	s7 =	simm.s32 @p2 $0x1082  }
0x22: {  	[simem:s7], [sflag:s8] =	dma.local @!p0 [hbm:s6], $0xF7A  }
0x23: {  	s9 =	sor.u32 $0xD0000000, s2;
	s6 =	simm.s32 $0x108;
	_ =	swait.ge @!p0 [sflag:s8], $0x0  }
0x24: {  	s3 =	sadd.s32 $0x88, s3;
	s6 =	simm.s32 @!p1 $0x1082;
	[sflag:s4] =	ssyncset.s32 $0xFFFFF086  }
0x25: {  	[simem:s6], [sflag:s4] =	dma.local [hbm:s3], $0xF7A  }
0x26: {  	[smem:$0x3F9A] =	sst s1;
	(tag) =	ssettag s2;
	_ =	strace s9  }
0x27: {  	s1 =	sld [smem:$0x3FAA]  }
0x28: {  	s2 =	sld [smem:$0x3FAB]  }
0x29: {  	s4 =	sld [smem:$0x3FAD]  }
0x2a: {  	p0 =	seq.s32 s5, $0x0;
	s5 =	sld [smem:$0x3FAE]  }
0x2b: {  	s6 =	sld [smem:$0x3FAF]  }
0x2c: {  	s7 =	sld [smem:$0x3FB0]  }
0x2d: {  	s3 =	simm.s32 $0x108;
	s8 =	sld [smem:$0x3FB1]  }
0x2e: {  	s3 =	simm.s32 @!p0 $0x1082;
	s9 =	sld [smem:$0x3FB2]  }
0x2f: {  	lr =	sadd.s32 s0, s3;
	s0 =	sld [smem:$0x3FA9]  }
0x30: {  	s3 =	sld [smem:$0x3FAC]  }
0x31: {  	[smem:$0x3FB5] =	sst s10  }
0x32: {  	s10 =	sld [smem:$0x3FB3];
	_ =	sdelay $0x3  }
0x33: {  	p0 =	seq.s32 s10, $0x1;
	s10 =	sld [smem:$0x3FB5];
	_ =	sdelay $0x3  }
0x34: {  	[smem:$0x3FB5] =	sst s10  }
0x35: {  	s10 =	sld [smem:$0x3FB4];
	_ =	sdelay $0x3  }
0x36: {  	p1 =	seq.s32 s10, $0x1;
	s10 =	sld [smem:$0x3FB5];
	_ =	sdelay $0x3  }
0x37: {  	[smem:$0x3FB5] =	sst s10  }
0x38: {  	s10 =	sld [smem:$0x3FB6]  }
0x39: {  	_ = 	snop;
	(pc) =	sbr.ind lr, $3  }
0x3a: {  	_ = 	snop  }
0x3b: {  	_ = 	snop  }
0x3c: {  	p2 =	seq.s32 s10, $0x1;
	s10 =	sld [smem:$0x3FB5]  }
0x3d: {  	_ =	shalt  }
0x3e: {  	_ =	shalt  }
0x3f: {  	_ =	shalt  }
0x40: {  	_ =	shalt  }
0x41: {  	_ =	shalt  }
0x42: {  	_ =	shalt  }
0x43: {  	_ =	shalt  }
0x44: {  	_ =	shalt  }
0x45: {  	_ =	shalt  }
0x46: {  	_ =	shalt  }
0x47: {  	_ =	shalt  }
0x48: {  	_ =	shalt  }
0x49: {  	_ =	shalt  }
0x4a: {  	_ =	shalt  }
0x4b: {  	_ =	shalt  }
0x4c: {  	_ =	shalt  }
0x4d: {  	_ =	shalt  }
0x4e: {  	_ =	shalt  }
0x4f: {  	_ =	shalt  }
0x50: {  	_ =	shalt  }
0x51: {  	_ =	shalt  }
0x52: {  	_ =	shalt  }
0x53: {  	_ =	shalt  }
0x54: {  	_ =	shalt  }
0x55: {  	_ =	shalt  }
0x56: {  	_ =	shalt  }
0x57: {  	_ =	shalt  }
0x58: {  	_ =	shalt  }
0x59: {  	_ =	shalt  }
0x5a: {  	_ =	shalt  }
0x5b: {  	_ =	shalt  }
0x5c: {  	_ =	shalt  }
0x5d: {  	_ =	shalt  }
0x5e: {  	_ =	shalt  }
0x5f: {  	_ =	shalt  }
0x60: {  	_ =	shalt  }
0x61: {  	_ =	shalt  }
0x62: {  	_ =	shalt  }
0x63: {  	_ =	shalt  }
0x64: {  	_ =	shalt  }
0x65: {  	_ =	shalt  }
0x66: {  	_ =	shalt  }
0x67: {  	_ =	shalt  }
0x68: {  	_ =	shalt  }
0x69: {  	_ =	shalt  }
0x6a: {  	_ =	shalt  }
0x6b: {  	_ =	shalt  }
0x6c: {  	_ =	shalt  }
0x6d: {  	_ =	shalt  }
0x6e: {  	_ =	shalt  }
0x6f: {  	_ =	shalt  }
0x70: {  	_ =	shalt  }
0x71: {  	_ =	shalt  }
0x72: {  	_ =	shalt  }
0x73: {  	_ =	shalt  }
0x74: {  	_ =	shalt  }
0x75: {  	_ =	shalt  }
0x76: {  	_ =	shalt  }
0x77: {  	_ =	shalt  }
0x78: {  	_ =	shalt  }
0x79: {  	_ =	shalt  }
0x7a: {  	_ =	shalt  }
0x7b: {  	_ =	shalt  }
0x7c: {  	_ =	shalt  }
0x7d: {  	_ =	shalt  }
0x7e: {  	_ =	shalt  }
0x7f: {  	_ =	shalt  }
0x80: {  	_ =	shalt  }
0x81: {  	_ =	shalt  }
0x82: {  	_ =	shalt  }
0x83: {  	_ =	shalt  }
0x84: {  	_ =	shalt  }
0x85: {  	_ =	shalt  }
0x86: {  	_ =	shalt  }
0x87: {  	_ =	shalt  }
.Lfunc_end0:
.L_simem_size_0:
called_computation_lowered:
.L_overlay_start_0:
0x88: {  	s2 =	sld [smem:$0x3FD9]  }
0x89: {  	s3 =	sld [smem:$0x3FFE];
	_ =	sdelay $0x1  }
0x8a: {  	s1 =	srdreg.scid  }
0x8b: {  	s0 =	sand.u32 $0x1, s1  }
0x8c: {  	s17 =	sshll.u32 s0, $0xA;
	s2 =	sadd.s32 s3, s2  }
0x8d: {  	s2 =	sadd.s32 s2, s17  }
0x8e: {  	[smem:$0x3FC1] =	sst s2  }
0x8f: {  	_ = 	snop  }
0x90: {  	s2 =	sld [smem:$0x3FC7]  }
0x91: {  	s18 =	sld [smem:$0x3FD0];
	(tm) =	ssettm $0x1  }
0x92: {  	s4 =	sld [smem:$0x3FFB];
	_ =	sdelay $0x3  }
0x93: {  	_ =	strace s4  }
0x94: {  	s4 =	sld [smem:$0x3FFC];
	_ =	sdelay $0x3  }
0x95: {  	_ =	strace s4  }
0x96: {  	s4 =	sld [smem:$0x3FFD];
	_ =	sdelay $0x3  }
0x97: {  	_ =	strace s4  }
0x98: {  	_ =	strace $0x8FFFFFFF  }
0x99: {  	s19 =	sld [smem:$0x3FDB];
	_ =	sdelay $0x1  }
0x9a: {  	s5 =	simm.s32 $_scs_section_size  }
0x9b: {  	s6 =	simm.s32 $_size__tile_overlayer_lowered;
	s7 =	simm.s32 $_tile_overlayer_lowered  }
0x9c: {  	s22 =	simm.s32 $0x1BFF;
	s21 =	sshll.u32 s7, $0x1;
	s4 =	sadd.s32 s5, s19  }
0x9d: {  	s8 =	simm.s32 $0x0;
	s20 =	sshll.u32 s6, $0x1;
	s6 =	sadd.s32 s21, s4  }
0x9e: {  	[timem:s8], [sflag:s22] =	dma.local [hbm:s6], s20  }
0x9f: {  	_ =	swait.ge [sflag:s22], s20  }
0xa0: {  	s5 =	ssub.s32 $0x0, s20;
	[sflag:s22] =	ssyncset.done $0x0  }
0xa1: {  	[sflag:s22] =	ssyncadd.s32 s5;
	_ =	sdelay $0x1  }
0xa2: {  	s23 =	simm.s32 $0x1B8B  }
0xa3: {  	_ =	swait.ge [sflag:s23], $0x1  }
0xa4: {  	[sflag:s23] =	ssyncset.done $0x0  }
0xa5: {  	s25 =	simm.s32 $0x1B8E;
	s24 =	sld [smem:$0x3FFE];
	[sflag:s23] =	ssyncadd.s32 $0xFFFFFFFF  }
0xa6: {  	s26 =	simm.s32 $execute0_lowered;
	[smem:$0x3FD2] =	sst s25  }
0xa7: {  	s6 =	sshll.u32 s26, $0x1;
	_ =	strace $0x80000046;
	[dreg:$0x1] =	wrdreg $0xFFFFFFFF  }
0xa8: {  	s28 =	simm.s32 $_size_execute0_lowered;
	s4 =	sadd.s32 s4, s6;
	[dreg:$0x0] =	wrdreg $0x0  }
0xa9: {  	s6 =	sshll.u32 s28, $0x1;
	[dreg:$0x2] =	wrdreg s4  }
0xaa: {  	[dreg:$0x3] =	wrdreg s6  }
0xab: {  	[dreg:$0x4] =	wrdreg $0xC0  }
0xac: {  	_ =	task [dreg:s8], $0x5FFFF  }
0xad: {  	[dreg:$0x1] =	wrdreg $0xFFFFFFFF  }
0xae: {  	[dreg:$0x0] =	wrdreg $0x60  }
0xaf: {  	[dreg:$0x2] =	wrdreg s24  }
0xb0: {  	[dreg:$0x3] =	wrdreg s2  }
0xb1: {  	[dreg:$0x4] =	wrdreg s18  }
0xb2: {  	[dreg:$0x5] =	wrdreg $0x9  }
0xb3: {  	_ =	task.clear_ibuf [dreg:s8], $0x6FFFF;
	_ =	strace $0x90000046  }
0xb4: {  	s29 =	simm.s32 $0x9;
	_ =	strace $0x80000048  }
0xb5: {  	_ =	swait.ge [sflag:s29], $0x1  }
0xb6: {  	[sflag:s29] =	ssyncadd.s32 $0xFFFFFFFF  }
0xb7: {  	_ =	strace $0x90000048  }
0xb8: {  	_ =	sfence  }
0xb9: {  	s30 =	sld [smem:$0x0];
	_ =	sdelay $0x2  }
0xba: {  	s31 =	sshll.u32 s1, $0xD;
	s1 =	sshrl.u32 s1, $0x2  }
0xbb: {  	s3 =	sand.u32 $0x4000, s31;
	s1 =	sadd.s32 s1, s30  }
0xbc: {  	s0 =	sor.u32 s3, s0;
	s1 =	sshll.u32 s1, $0x11  }
0xbd: {  	s0 =	sor.u32 s1, s0  }
0xbe: {  	s0 =	sadd.s32 $0x8F2B, s0  }
0xbf: {  	[sflag:s0] =	ssyncadd.remote.s32 $0x1  }
0xc0: {  	_ =	sfence.sel $0xFFFF  }
0xc1: {  	[dreg:$0x0] =	wrdreg $0xFFFFFFFF;
	(pc) =	sbr.abs _section_cstart, $3  }
0xc2: {  	[dreg:$0x1] =	wrdreg $0xFFFFFFFF  }
0xc3: {  	_ =	task.clear_ibuf [dreg:s8], $0x2FFFF;
	_ =	strace $0x9FFFFFFF  }
0xc4: {  	(tm) =	ssettm $0x7FFFFFFF  }
0xc5: {  	_ =	shalt  }
tec
execute0_lowered:
.L_overlay_start_1:
0x0: {  	(tag) =	ssettag $0x1  }
0x1: {  	s1 =	srdreg.scid;
	s0 =	stileid.u32  }
0x2: {  	s1 =	sand.u32 $0x1, s1;
	s3 =	sshll.u32 s0, $0x1  }
0x3: {  	s5 =	sor.u32 s1, s3  }
0x4: {  	s4 =	rddreg [dreg:$0x0];
	s18 =	smul.u32 $0x18000, s5  }
0x5: {  	s2 =	rddreg [dreg:$0x1];
	s6 =	sshll.u32 s5, $0x5;
	s5 =	smul.u32 $0x3000, s5  }
0x6: {  	s7 =	rddreg [dreg:$0x2];
	s6 =	sor.u32 s3, s6;
	s3 =	simm.s32 $0x0  }
0x7: {  	[smem:$0x7FF] =	sst s3;
	s19 =	sadd.s32 s7, s5  }
0x8: {  	s22 =	simm.s32 $0x900;
	_ =	strace $0x80000047;
	[dreg:$0x6] =	wrdreg s19  }
0x9: {  	s23 =	simm.s32 $0x1100;
	[dreg:$0x8] =	wrdreg s22  }
0xa: {  	s24 =	simm.s32 $0x1900;
	[dreg:$0x9] =	wrdreg s23  }
0xb: {  	s25 =	simm.s32 $0x2100;
	[dreg:$0xa] =	wrdreg s24  }
0xc: {  	s26 =	simm.s32 $0x2900;
	[dreg:$0xb] =	wrdreg s25  }
0xd: {  	s0 =	simm.s32 $0x3100;
	[dreg:$0xc] =	wrdreg s26  }
0xe: {  	s5 =	simm.s32 $0x3900;
	[dreg:$0xd] =	wrdreg s0  }
0xf: {  	s9 =	simm.s32 $0x5900;
	[dreg:$0xe] =	wrdreg s5  }
0x10: {  	s10 =	simm.s32 $0x6100;
	s11 =	simm.s32 $0x6900;
	[dreg:$0x12] =	wrdreg s9  }
0x11: {  	s12 =	simm.s32 $0x7100;
	s13 =	simm.s32 $0x7900;
	[dreg:$0x13] =	wrdreg s10  }
0x12: {  	s14 =	simm.s32 $0x8100;
	s15 =	simm.s32 $0x8900;
	[dreg:$0x14] =	wrdreg s11  }
0x13: {  	s16 =	simm.s32 $0x9100;
	s17 =	simm.s32 $0x9900;
	[dreg:$0x15] =	wrdreg s12  }
0x14: {  	s28 =	simm.s32 $0x16900;
	s29 =	simm.s32 $0x17100;
	[dreg:$0x16] =	wrdreg s13  }
0x15: {  	s30 =	simm.s32 $0x17900;
	s31 =	simm.s32 $0x1;
	[dreg:$0x17] =	wrdreg s14  }
0x16: {  	s1 =	ssub.s32 $0x2, s1;
	s6 =	sand.u32 $0x1F0, s6;
	[dreg:$0x18] =	wrdreg s15  }
0x17: {  	s4 =	sadd.s32 s6, s4;
	s6 =	sshrl.u32 s18, $0x3;
	[dreg:$0x19] =	wrdreg s16  }
0x18: {  	[dreg:$0x1a] =	wrdreg s17;
	s18 =	simm.s32 $0xA100;
	s19 =	sshrl.u32 s1, $0x1  }
0x19: {  	s22 =	simm.s32 $0xB900;
	s5 =	sadd.s32 $0x200, s2;
	s23 =	simm.s32 $0x80  }
0x1a: {  	s24 =	simm.s32 $0xC900;
	s25 =	simm.s32 $0xD100;
	s26 =	simm.s32 $0xD900  }
0x1b: {  	s9 =	simm.s32 $0xC100;
	s12 =	simm.s32 $0xF100;
	s13 =	simm.s32 $0xF900  }
0x1c: {  	s14 =	simm.s32 $0x10100;
	s15 =	simm.s32 $0x10900;
	[dreg:$0x1b] =	wrdreg s18  }
0x1d: {  	s16 =	simm.s32 $0x11100;
	s17 =	simm.s32 $0x11900;
	[dreg:$0x1e] =	wrdreg s22  }
0x1e: {  	s8 =	sadd.s32 $0x1800, s4;
	s4 =	sadd.s32 $0x1808, s4;
	[dreg:$0x1f] =	wrdreg s23  }
0x1f: {  	s20 =	sadd.s32 s7, s6;
	s6 =	simm.s32 $0x4100;
	[smem:$0x7FB] =	sst s24  }
0x20: {  	s7 =	simm.s32 $0x4900;
	s1 =	ssub.s32 s1, s19;
	[smem:$0x7FC] =	sst s25  }
0x21: {  	[smem:$0x7FD] =	sst s26;
	s18 =	simm.s32 $0x12100;
	s19 =	simm.s32 $0x12900  }
0x22: {  	s22 =	simm.s32 $0x14100;
	s23 =	simm.s32 $0x14900;
	[dreg:$0x4] =	wrdreg s8  }
0x23: {  	s24 =	simm.s32 $0x15100;
	s25 =	simm.s32 $0x15900;
	[dreg:$0x5] =	wrdreg s4  }
0x24: {  	s26 =	simm.s32 $0x16100;
	s21 =	sadd.s32 $0x1800, s20;
	[dreg:$0xf] =	wrdreg s6  }
0x25: {  	[dreg:$0x10] =	wrdreg s7;
	s8 =	simm.s32 $0x5100;
	s20 =	simm.s32 $0xA900  }
0x26: {  	s4 =	sadd.s32 $0x100, s2;
	s6 =	smax.u32 s1, $0x1;
	[dreg:$0x7] =	wrdreg s21  }
0x27: {  	v2 =	vlaneseq.u32;
	s7 =	simm.s32 $0x3;
	s1 =	simm.s32 $0x2;
	[dreg:$0x11] =	wrdreg s8  }
0x28: {  	vm0 =	vmmov $0xffff;
	v1 =	vshrl.u32 v2, $0x3;
	[dreg:$0x1c] =	wrdreg s20;
	s21 =	simm.s32 $0xB100;
	s8 =	simm.s32 $0x100  }
0x29: {  	v0 =	vand.u32 $0x7, v2;
	v2 =	vor.u32 $0x8, v2;
	v1 =	vmul.u32 $0x8, v1;
	s20 =	simm.s32 $0x13100;
	[dreg:$0x1d] =	wrdreg s21;
	s21 =	simm.s32 $0x13900  }
.LBB2_1:
0x2a: {  	s0 =	rddreg [dreg:$0x4]  }
0x2b: {  	[tilespmem:s3], [sflag:$0x3] =	stream.linear.gather [hbm4b:s0+s3], $0x40, $0x38;
	[tilespmem:$0x18100] =	vst v63  }
0x2c: {  	_ =	swait.ge [sflag:s7], $0x40  }
0x2d: {  	[sflag:s7] =	ssyncset.done $0x0  }
0x2e: {  	[sflag:s7] =	ssyncadd.s32 $0xFFFFFFC0  }
0x2f: {  	v3 =	vld [tilespmem:$0x0];
	_ =	sdelay $0x4  }
0x30: {  	v4 =	vshrl.u32 v3, $0x3  }
0x31: {  	v4 =	vmul.u32 $0x30, v4  }
0x32: {  	v3 =	vand.u32 $0x7, v3  }
0x33: {  	v3 =	vor.u32 v3, v4  }
0x34: {  	v4 =	vperm.xlane v3, v0;
	_ =	sdelay $0x1  }
0x35: {  	v4 =	vadd.s32 v1, v4;
	_ =	sdelay $0x3  }
0x36: {  	v3 =	vperm.xlane v3, v2  }
0x37: {  	[tilespmem:s8], [sflag:$0x1] =	stream.indirect_vreg.gather [hbm4b:s2+s3], $0x80, v4, vm0, $0xb8;
	[tilespmem:$0x18100] =	vst v63  }
0x38: {  	s11 =	rddreg [dreg:$0x8];
	v3 =	vadd.s32 v1, v3  }
0x39: {  	[tilespmem:s11], [sflag:$0x1] =	stream.indirect_vreg.gather [hbm4b:s4+s3], $0x80, v4, vm0, $0xb8;
	[tilespmem:$0x18100] =	vst v63  }
0x3a: {  	s10 =	rddreg [dreg:$0x9]  }
0x3b: {  	[tilespmem:s10], [sflag:$0x1] =	stream.indirect_vreg.gather [hbm4b:s5+s3], $0x80, v4, vm0, $0xb8;
	[tilespmem:$0x18100] =	vst v63  }
0x3c: {  	s11 =	rddreg [dreg:$0xa]  }
0x3d: {  	[tilespmem:s11], [sflag:$0x1] =	stream.indirect_vreg.gather [hbm4b:s2+s3], $0x80, v3, vm0, $0xb8;
	[tilespmem:$0x18100] =	vst v63  }
0x3e: {  	s10 =	rddreg [dreg:$0xb]  }
0x3f: {  	[tilespmem:s10], [sflag:$0x1] =	stream.indirect_vreg.gather [hbm4b:s4+s3], $0x80, v3, vm0, $0xb8;
	[tilespmem:$0x18100] =	vst v63  }
0x40: {  	s11 =	rddreg [dreg:$0xc]  }
0x41: {  	[tilespmem:s11], [sflag:$0x1] =	stream.indirect_vreg.gather [hbm4b:s5+s3], $0x80, v3, vm0, $0xb8;
	[tilespmem:$0x18100] =	vst v63  }
0x42: {  	v3 =	vld [tilespmem:$0x10];
	_ =	sdelay $0x4  }
0x43: {  	v57 =	vshrl.u32 v3, $0x3  }
0x44: {  	v4 =	vmul.u32 $0x30, v57  }
0x45: {  	v3 =	vand.u32 $0x7, v3  }
0x46: {  	v3 =	vor.u32 v3, v4  }
0x47: {  	v4 =	vperm.xlane v3, v0;
	_ =	sdelay $0x1  }
0x48: {  	v4 =	vadd.s32 v1, v4;
	_ =	sdelay $0x3  }
0x49: {  	s10 =	rddreg [dreg:$0xd];
	v3 =	vperm.xlane v3, v2  }
0x4a: {  	[tilespmem:s10], [sflag:$0x1] =	stream.indirect_vreg.gather [hbm4b:s2+s3], $0x80, v4, vm0, $0xb8;
	[tilespmem:$0x18100] =	vst v63  }
0x4b: {  	s11 =	rddreg [dreg:$0xe];
	v3 =	vadd.s32 v1, v3  }
0x4c: {  	[tilespmem:s11], [sflag:$0x1] =	stream.indirect_vreg.gather [hbm4b:s4+s3], $0x80, v4, vm0, $0xb8;
	[tilespmem:$0x18100] =	vst v63  }
0x4d: {  	s0 =	rddreg [dreg:$0xf]  }
0x4e: {  	[tilespmem:s0], [sflag:$0x1] =	stream.indirect_vreg.gather [hbm4b:s5+s3], $0x80, v4, vm0, $0xb8;
	[tilespmem:$0x18100] =	vst v63  }
0x4f: {  	s11 =	rddreg [dreg:$0x10]  }
0x50: {  	[tilespmem:s11], [sflag:$0x1] =	stream.indirect_vreg.gather [hbm4b:s2+s3], $0x80, v3, vm0, $0xb8;
	[tilespmem:$0x18100] =	vst v63  }
0x51: {  	s0 =	rddreg [dreg:$0x11]  }
0x52: {  	[tilespmem:s0], [sflag:$0x1] =	stream.indirect_vreg.gather [hbm4b:s4+s3], $0x80, v3, vm0, $0xb8;
	[tilespmem:$0x18100] =	vst v63  }
0x53: {  	s11 =	rddreg [dreg:$0x12]  }
0x54: {  	[tilespmem:s11], [sflag:$0x1] =	stream.indirect_vreg.gather [hbm4b:s5+s3], $0x80, v3, vm0, $0xb8;
	[tilespmem:$0x18100] =	vst v63  }
0x55: {  	v3 =	vld [tilespmem:$0x20];
	_ =	sdelay $0x4  }
0x56: {  	v58 =	vshrl.u32 v3, $0x3  }
0x57: {  	v4 =	vmul.u32 $0x30, v58  }
0x58: {  	v3 =	vand.u32 $0x7, v3  }
0x59: {  	v3 =	vor.u32 v3, v4  }
0x5a: {  	v4 =	vperm.xlane v3, v0;
	_ =	sdelay $0x1  }
0x5b: {  	v4 =	vadd.s32 v1, v4;
	_ =	sdelay $0x3  }
0x5c: {  	s10 =	rddreg [dreg:$0x13];
	v3 =	vperm.xlane v3, v2  }
0x5d: {  	[tilespmem:s10], [sflag:$0x1] =	stream.indirect_vreg.gather [hbm4b:s2+s3], $0x80, v4, vm0, $0xb8;
	[tilespmem:$0x18100] =	vst v63  }
0x5e: {  	s11 =	rddreg [dreg:$0x14];
	v3 =	vadd.s32 v1, v3  }
0x5f: {  	[tilespmem:s11], [sflag:$0x1] =	stream.indirect_vreg.gather [hbm4b:s4+s3], $0x80, v4, vm0, $0xb8;
	[tilespmem:$0x18100] =	vst v63  }
0x60: {  	s0 =	rddreg [dreg:$0x15]  }
0x61: {  	[tilespmem:s0], [sflag:$0x1] =	stream.indirect_vreg.gather [hbm4b:s5+s3], $0x80, v4, vm0, $0xb8;
	[tilespmem:$0x18100] =	vst v63  }
0x62: {  	s11 =	rddreg [dreg:$0x16]  }
0x63: {  	[tilespmem:s11], [sflag:$0x1] =	stream.indirect_vreg.gather [hbm4b:s2+s3], $0x80, v3, vm0, $0xb8;
	[tilespmem:$0x18100] =	vst v63  }
0x64: {  	s0 =	rddreg [dreg:$0x17]  }
0x65: {  	[tilespmem:s0], [sflag:$0x1] =	stream.indirect_vreg.gather [hbm4b:s4+s3], $0x80, v3, vm0, $0xb8;
	[tilespmem:$0x18100] =	vst v63  }
0x66: {  	s11 =	rddreg [dreg:$0x18]  }
0x67: {  	[tilespmem:s11], [sflag:$0x1] =	stream.indirect_vreg.gather [hbm4b:s5+s3], $0x80, v3, vm0, $0xb8;
	[tilespmem:$0x18100] =	vst v63  }
0x68: {  	v3 =	vld [tilespmem:$0x30];
	_ =	sdelay $0x4  }
0x69: {  	v59 =	vshrl.u32 v3, $0x3  }
0x6a: {  	v4 =	vmul.u32 $0x30, v59  }
0x6b: {  	v3 =	vand.u32 $0x7, v3  }
0x6c: {  	v3 =	vor.u32 v3, v4  }
0x6d: {  	v4 =	vperm.xlane v3, v0;
	_ =	sdelay $0x1  }
0x6e: {  	v4 =	vadd.s32 v1, v4;
	_ =	sdelay $0x2  }
0x6f: {  	s10 =	rddreg [dreg:$0x1a]  }
0x70: {  	s11 =	rddreg [dreg:$0x19];
	v3 =	vperm.xlane v3, v2  }
0x71: {  	[tilespmem:s11], [sflag:$0x1] =	stream.indirect_vreg.gather [hbm4b:s2+s3], $0x80, v4, vm0, $0xb8;
	[tilespmem:$0x18100] =	vst v63  }
0x72: {  	s0 =	rddreg [dreg:$0x1e];
	v3 =	vadd.s32 v1, v3  }
0x73: {  	[tilespmem:s10], [sflag:$0x1] =	stream.indirect_vreg.gather [hbm4b:s4+s3], $0x80, v4, vm0, $0xb8;
	[tilespmem:$0x18100] =	vst v63  }
0x74: {  	s11 =	rddreg [dreg:$0x1b]  }
0x75: {  	[tilespmem:s11], [sflag:$0x1] =	stream.indirect_vreg.gather [hbm4b:s5+s3], $0x80, v4, vm0, $0xb8;
	[tilespmem:$0x18100] =	vst v63  }
0x76: {  	s10 =	rddreg [dreg:$0x1c]  }
0x77: {  	[tilespmem:s10], [sflag:$0x1] =	stream.indirect_vreg.gather [hbm4b:s2+s3], $0x80, v3, vm0, $0xb8;
	[tilespmem:$0x18100] =	vst v63  }
0x78: {  	s11 =	rddreg [dreg:$0x1d]  }
0x79: {  	[tilespmem:s11], [sflag:$0x1] =	stream.indirect_vreg.gather [hbm4b:s4+s3], $0x80, v3, vm0, $0xb8;
	[tilespmem:$0x18100] =	vst v63  }
0x7a: {  	s10 =	rddreg [dreg:$0x5]  }
0x7b: {  	[tilespmem:s0], [sflag:$0x1] =	stream.indirect_vreg.gather [hbm4b:s5+s3], $0x80, v3, vm0, $0xb8;
	[tilespmem:$0x18100] =	vst v63  }
0x7c: {  	s11 =	rddreg [dreg:$0x1f]  }
0x7d: {  	[tilespmem:s11], [sflag:$0x3] =	stream.linear.gather [hbm4b:s10+s3], $0x40, $0x38;
	[tilespmem:$0x18100] =	vst v63  }
0x7e: {  	_ =	swait.ge [sflag:s7], $0x40  }
0x7f: {  	[sflag:s7] =	ssyncset.done $0x0  }
0x80: {  	[sflag:s7] =	ssyncadd.s32 $0xFFFFFFC0  }
0x81: {  	v3 =	vld [tilespmem:$0x80];
	_ =	sdelay $0x4  }
0x82: {  	v60 =	vshrl.u32 v3, $0x3  }
0x83: {  	v4 =	vmul.u32 $0x30, v60  }
0x84: {  	v3 =	vand.u32 $0x7, v3  }
0x85: {  	v3 =	vor.u32 v3, v4  }
0x86: {  	v4 =	vperm.xlane v3, v0;
	_ =	sdelay $0x1  }
0x87: {  	v4 =	vadd.s32 v1, v4;
	_ =	sdelay $0x3  }
0x88: {  	s11 =	sld [smem:$0x7FB];
	v3 =	vperm.xlane v3, v2  }
0x89: {  	[tilespmem:s9], [sflag:$0x2] =	stream.indirect_vreg.gather [hbm4b:s2+s3], $0x80, v4, vm0, $0xb8;
	[tilespmem:$0x18100] =	vst v63  }
0x8a: {  	s10 =	sld [smem:$0x7FC];
	v3 =	vadd.s32 v1, v3  }
0x8b: {  	[tilespmem:s11], [sflag:$0x2] =	stream.indirect_vreg.gather [hbm4b:s4+s3], $0x80, v4, vm0, $0xb8;
	[tilespmem:$0x18100] =	vst v63  }
0x8c: {  	s11 =	sld [smem:$0x7FD]  }
0x8d: {  	[tilespmem:s10], [sflag:$0x2] =	stream.indirect_vreg.gather [hbm4b:s5+s3], $0x80, v4, vm0, $0xb8;
	[tilespmem:$0x18100] =	vst v63  }
0x8e: {  	_ = 	snop  }
0x8f: {  	[tilespmem:s11], [sflag:$0x2] =	stream.indirect_vreg.gather [hbm4b:s2+s3], $0x80, v3, vm0, $0xb8;
	[tilespmem:$0x18100] =	vst v63  }
0x90: {  	s10 =	simm.s32 $0xE100  }
0x91: {  	[tilespmem:s10], [sflag:$0x2] =	stream.indirect_vreg.gather [hbm4b:s4+s3], $0x80, v3, vm0, $0xb8;
	[tilespmem:$0x18100] =	vst v63  }
0x92: {  	s11 =	simm.s32 $0xE900  }
0x93: {  	[tilespmem:s11], [sflag:$0x2] =	stream.indirect_vreg.gather [hbm4b:s5+s3], $0x80, v3, vm0, $0xb8;
	[tilespmem:$0x18100] =	vst v63  }
0x94: {  	v3 =	vld [tilespmem:$0x90];
	_ =	sdelay $0x4  }
0x95: {  	v61 =	vshrl.u32 v3, $0x3  }
0x96: {  	v4 =	vmul.u32 $0x30, v61  }
0x97: {  	v3 =	vand.u32 $0x7, v3  }
0x98: {  	v3 =	vor.u32 v3, v4  }
0x99: {  	v4 =	vperm.xlane v3, v0;
	_ =	sdelay $0x1  }
0x9a: {  	v4 =	vadd.s32 v1, v4;
	_ =	sdelay $0x3  }
0x9b: {  	v3 =	vperm.xlane v3, v2  }
0x9c: {  	[tilespmem:s12], [sflag:$0x2] =	stream.indirect_vreg.gather [hbm4b:s2+s3], $0x80, v4, vm0, $0xb8;
	[tilespmem:$0x18100] =	vst v63  }
0x9d: {  	v3 =	vadd.s32 v1, v3  }
0x9e: {  	[tilespmem:s13], [sflag:$0x2] =	stream.indirect_vreg.gather [hbm4b:s4+s3], $0x80, v4, vm0, $0xb8;
	[tilespmem:$0x18100] =	vst v63  }
0x9f: {  	_ = 	snop  }
0xa0: {  	[tilespmem:s14], [sflag:$0x2] =	stream.indirect_vreg.gather [hbm4b:s5+s3], $0x80, v4, vm0, $0xb8;
	[tilespmem:$0x18100] =	vst v63  }
0xa1: {  	_ = 	snop  }
0xa2: {  	[tilespmem:s15], [sflag:$0x2] =	stream.indirect_vreg.gather [hbm4b:s2+s3], $0x80, v3, vm0, $0xb8;
	[tilespmem:$0x18100] =	vst v63  }
0xa3: {  	_ = 	snop  }
0xa4: {  	[tilespmem:s16], [sflag:$0x2] =	stream.indirect_vreg.gather [hbm4b:s4+s3], $0x80, v3, vm0, $0xb8;
	[tilespmem:$0x18100] =	vst v63  }
0xa5: {  	_ = 	snop  }
0xa6: {  	[tilespmem:s17], [sflag:$0x2] =	stream.indirect_vreg.gather [hbm4b:s5+s3], $0x80, v3, vm0, $0xb8;
	[tilespmem:$0x18100] =	vst v63  }
0xa7: {  	v3 =	vld [tilespmem:$0xA0];
	_ =	sdelay $0x4  }
0xa8: {  	v62 =	vshrl.u32 v3, $0x3  }
0xa9: {  	v4 =	vmul.u32 $0x30, v62  }
0xaa: {  	v3 =	vand.u32 $0x7, v3  }
0xab: {  	v3 =	vor.u32 v3, v4  }
0xac: {  	v4 =	vperm.xlane v3, v0;
	_ =	sdelay $0x1  }
0xad: {  	v4 =	vadd.s32 v1, v4;
	_ =	sdelay $0x3  }
0xae: {  	v3 =	vperm.xlane v3, v2  }
0xaf: {  	[tilespmem:s18], [sflag:$0x2] =	stream.indirect_vreg.gather [hbm4b:s2+s3], $0x80, v4, vm0, $0xb8;
	[tilespmem:$0x18100] =	vst v63  }
0xb0: {  	v3 =	vadd.s32 v1, v3  }
0xb1: {  	[tilespmem:s19], [sflag:$0x2] =	stream.indirect_vreg.gather [hbm4b:s4+s3], $0x80, v4, vm0, $0xb8;
	[tilespmem:$0x18100] =	vst v63  }
0xb2: {  	_ = 	snop  }
0xb3: {  	[tilespmem:s20], [sflag:$0x2] =	stream.indirect_vreg.gather [hbm4b:s5+s3], $0x80, v4, vm0, $0xb8;
	[tilespmem:$0x18100] =	vst v63  }
0xb4: {  	_ = 	snop  }
0xb5: {  	[tilespmem:s21], [sflag:$0x2] =	stream.indirect_vreg.gather [hbm4b:s2+s3], $0x80, v3, vm0, $0xb8;
	[tilespmem:$0x18100] =	vst v63  }
0xb6: {  	_ = 	snop  }
0xb7: {  	[tilespmem:s22], [sflag:$0x2] =	stream.indirect_vreg.gather [hbm4b:s4+s3], $0x80, v3, vm0, $0xb8;
	[tilespmem:$0x18100] =	vst v63  }
0xb8: {  	_ = 	snop  }
0xb9: {  	[tilespmem:s23], [sflag:$0x2] =	stream.indirect_vreg.gather [hbm4b:s5+s3], $0x80, v3, vm0, $0xb8;
	[tilespmem:$0x18100] =	vst v63  }
0xba: {  	v3 =	vld [tilespmem:$0xB0];
	_ =	sdelay $0x4  }
0xbb: {  	v63 =	vshrl.u32 v3, $0x3  }
0xbc: {  	v4 =	vmul.u32 $0x30, v63  }
0xbd: {  	v3 =	vand.u32 $0x7, v3  }
0xbe: {  	v3 =	vor.u32 v3, v4  }
0xbf: {  	v4 =	vperm.xlane v3, v0;
	_ =	sdelay $0x1  }
0xc0: {  	v4 =	vadd.s32 v1, v4;
	_ =	sdelay $0x3  }
0xc1: {  	v3 =	vperm.xlane v3, v2  }
0xc2: {  	[tilespmem:s24], [sflag:$0x2] =	stream.indirect_vreg.gather [hbm4b:s2+s3], $0x80, v4, vm0, $0xb8;
	[tilespmem:$0x18100] =	vst v63  }
0xc3: {  	v3 =	vadd.s32 v1, v3  }
0xc4: {  	[tilespmem:s25], [sflag:$0x2] =	stream.indirect_vreg.gather [hbm4b:s4+s3], $0x80, v4, vm0, $0xb8;
	[tilespmem:$0x18100] =	vst v63  }
0xc5: {  	_ = 	snop  }
0xc6: {  	[tilespmem:s26], [sflag:$0x2] =	stream.indirect_vreg.gather [hbm4b:s5+s3], $0x80, v4, vm0, $0xb8;
	[tilespmem:$0x18100] =	vst v63  }
0xc7: {  	_ = 	snop  }
0xc8: {  	[tilespmem:s28], [sflag:$0x2] =	stream.indirect_vreg.gather [hbm4b:s2+s3], $0x80, v3, vm0, $0xb8;
	[tilespmem:$0x18100] =	vst v63  }
0xc9: {  	_ = 	snop  }
0xca: {  	[tilespmem:s29], [sflag:$0x2] =	stream.indirect_vreg.gather [hbm4b:s4+s3], $0x80, v3, vm0, $0xb8;
	[tilespmem:$0x18100] =	vst v63  }
0xcb: {  	_ = 	snop  }
0xcc: {  	[tilespmem:s30], [sflag:$0x2] =	stream.indirect_vreg.gather [hbm4b:s5+s3], $0x80, v3, vm0, $0xb8;
	[tilespmem:$0x18100] =	vst v63  }
0xcd: {  	_ =	swait.ge [sflag:s31], $0xC000  }
0xce: {  	[sflag:s31] =	ssyncset.done $0x0  }
0xcf: {  	s10 =	rddreg [dreg:$0x6];
	[sflag:s31] =	ssyncadd.s32 $0xFFFF4000  }
0xd0: {  	[hbm4b:s10+s3] =	stream.linear.scatter [tilespmem:s8], [sflag:$0x3], $0xC000, $0x38;
	[tilespmem:$0x18100] =	vst v63  }
0xd1: {  	_ =	swait.ge [sflag:s7], $0xC000  }
0xd2: {  	[sflag:s7] =	ssyncset.done $0x0  }
0xd3: {  	[sflag:s7] =	ssyncadd.s32 $0xFFFF4000  }
0xd4: {  	_ =	swait.ge [sflag:s1], $0xC000  }
0xd5: {  	p0 =	sne.s32 s6, $0x1;
	[sflag:s1] =	ssyncset.done $0x0  }
.Ltmp0:
0xd6: {  	s11 =	rddreg [dreg:$0x7];
	[sflag:s1] =	ssyncadd.s32 $0xFFFF4000;
	(pc) =	sbr.rel @p0 .LBB2_1-.Ltmp0, $4  }
0xd7: {  	[hbm4b:s11+s3] =	stream.linear.scatter [tilespmem:s9], [sflag:$0x3], $0xC000, $0x38;
	[tilespmem:$0x18100] =	vst v63  }
0xd8: {  	_ =	swait.ge [sflag:s7], $0xC000  }
0xd9: {  	[sflag:s7] =	ssyncset.done $0x0  }
0xda: {  	s6 =	sadd.s32 $0xFFFFFFFF, s6;
	[sflag:s7] =	ssyncadd.s32 $0xFFFF4000  }
0xdb: {  	_ =	sfence.sel $0x180000  }
0xdc: {  	[bflag:$0x0] =	sbarrier.arrive $0xFFFF  }
0xdd: {  	_ =	strace $0x90000047  }
0xde: {  	s0 =	stileid.u32;
	[bflag:$0x2] =	sbarrier.arrive $0xFFFF  }
0xdf: {  	p0 =	sne.s32 s0, $0x0;
	s0 =	rddreg [dreg:$0x3]  }
0xe0: {  	s0 =	sadd.s32 @!p0 $0x100000, s0  }
0xe1: {  	[sflag:s0] =	ssyncadd.tile.s32 @!p0 $0x1;
	_ =	shalt  }
.Lfunc_end2:
_tile_overlayer_lowered:
.L_overlay_start_2:
0xe2: {  	(tag) =	ssettag $0x2  }
0xe3: {  	s0 =	rddreg [dreg:$0x0];
	s2 =	stileid.u32  }
0xe4: {  	s1 =	rddreg [dreg:$0x1];
	p0 =	sne.s32 s2, $0x0  }
0xe5: {  	s3 =	rddreg [dreg:$0x2];
	[bflag:$0x3] =	sbarrier.arrive $0xFFFF;
	s2 =	simm.s32 @!p0 $0x1C03  }
0xe6: {  	[timem:s3], [sflag:s2] =	dma.local @!p0 [hbm:s0], s1  }
0xe7: {  	s0 =	simm.s32 @!p0 $0x3  }
0xe8: {  	_ =	swait.ge @!p0 [sflag:s0], s1  }
0xe9: {  	s1 =	ssub.s32 @!p0 $0x0, s1;
	[sflag:s0] =	ssyncset.done @!p0 $0x0  }
0xea: {  	[sflag:s0] =	ssyncadd.s32 @!p0 s1  }
0xeb: {  	[bflag:$0x3] =	sbarrier.arrive $0xFFFF  }
0xec: {  	_ =	shalt  }

// kernel: kernel.9.cloned.1.call-start
scs
__scs_entry_jumppad:
0x0: {  	(pc) =	sbr.rel $0x88, $3  }
0x1: {  	(tag) =	ssettag $0x0;
	lr =	simm.s32 $0x1  }
0x2: {  	[smem:$0x3F9A] =	sst lr;
	_ =	strace $0xD0000000  }
0x3: {  	_ = 	snop  }
0x4: {  	_ = 	snop  }
0x5: {  	_ = 	snop  }
0x6: {  	_ = 	snop  }
0x7: {  	_ = 	snop  }
__scs_overlays_trampoline_lowered:
0x8: {  	[smem:$0x3FA9] =	sst s0  }
0x9: {  	[smem:$0x3FAA] =	sst s1  }
0xa: {  	[smem:$0x3FAB] =	sst s2  }
0xb: {  	[smem:$0x3FAC] =	sst s3  }
0xc: {  	[smem:$0x3FAD] =	sst s4  }
0xd: {  	[smem:$0x3FAE] =	sst s5  }
0xe: {  	[smem:$0x3FAF] =	sst s6  }
0xf: {  	[smem:$0x3FB0] =	sst s7  }
0x10: {  	[smem:$0x3FB1] =	sst s8  }
0x11: {  	[smem:$0x3FB2] =	sst s9;
	s0 =	simm.s32 @!p0 $0x0  }
0x12: {  	s1 =	sld [smem:$0x3F98];
	s0 =	simm.s32 @p0 $0x1  }
0x13: {  	[smem:$0x3FB3] =	sst s0;
	s0 =	simm.s32 @!p1 $0x0  }
0x14: {  	s2 =	sld [smem:$0x3F97];
	s0 =	simm.s32 @p1 $0x1  }
0x15: {  	[smem:$0x3FB4] =	sst s0;
	s0 =	simm.s32 @!p2 $0x0  }
0x16: {  	s3 =	sld [smem:$0x3FDB];
	s0 =	simm.s32 @p2 $0x1  }
0x17: {  	s4 =	simm.s32 $0x1BF5;
	[smem:$0x3FB6] =	sst s0  }
0x18: {  	s0 =	sld [smem:$0x3F99];
	_ =	swait.ge [sflag:s4], $0x0  }
0x19: {  	s7 =	sld [smem:$0x3F9A]  }
0x1a: {  	s8 =	sadd.s32 $0xFFFFE003, lr  }
0x1b: {  	s9 =	sadd.s32 $0xFFFFFEF7, lr;
	s5 =	simm.s32 $0xFFFFFFFF;
	p2 =	slt.u32 s8, $0xFFFFF086  }
0x1c: {  	p1 =	slt.u32 s9, $0xF7A;
	s5 =	simm.s32 @!p2 $0x0  }
0x1d: {  	s5 =	simm.s32 @p1 $0x1;
	p0 =	seq.s32 s7, s2  }
0x1e: {  	s7 =	smul.u32 @!p0 $0xF7A, s2;
	p2 =	seq.s32 @!p0 s5, $0x0  }
0x1f: {  	s9 =	smul.u32 $0xF7A, s1;
	s8 =	simm.s32 @!p0 $0x1BF5;
	p2 =	por !p2, p0  }
0x20: {  	[sflag:s8] =	ssyncset.s32 @!p0 $0xFFFFF086;
	s6 =	sadd.s32 @!p0 s3, s7;
	s7 =	simm.s32 @!p0 $0x108  }
0x21: {  	s3 =	sadd.s32 s3, s9;
	s6 =	sadd.s32 @!p0 $0x88, s6;
	s7 =	simm.s32 @p2 $0x1082  }
0x22: {  	[simem:s7], [sflag:s8] =	dma.local @!p0 [hbm:s6], $0xF7A  }
0x23: {  	s9 =	sor.u32 $0xD0000000, s2;
	s6 =	simm.s32 $0x108;
	_ =	swait.ge @!p0 [sflag:s8], $0x0  }
0x24: {  	s3 =	sadd.s32 $0x88, s3;
	s6 =	simm.s32 @!p1 $0x1082;
	[sflag:s4] =	ssyncset.s32 $0xFFFFF086  }
0x25: {  	[simem:s6], [sflag:s4] =	dma.local [hbm:s3], $0xF7A  }
0x26: {  	[smem:$0x3F9A] =	sst s1;
	(tag) =	ssettag s2;
	_ =	strace s9  }
0x27: {  	s1 =	sld [smem:$0x3FAA]  }
0x28: {  	s2 =	sld [smem:$0x3FAB]  }
0x29: {  	s4 =	sld [smem:$0x3FAD]  }
0x2a: {  	p0 =	seq.s32 s5, $0x0;
	s5 =	sld [smem:$0x3FAE]  }
0x2b: {  	s6 =	sld [smem:$0x3FAF]  }
0x2c: {  	s7 =	sld [smem:$0x3FB0]  }
0x2d: {  	s3 =	simm.s32 $0x108;
	s8 =	sld [smem:$0x3FB1]  }
0x2e: {  	s3 =	simm.s32 @!p0 $0x1082;
	s9 =	sld [smem:$0x3FB2]  }
0x2f: {  	lr =	sadd.s32 s0, s3;
	s0 =	sld [smem:$0x3FA9]  }
0x30: {  	s3 =	sld [smem:$0x3FAC]  }
0x31: {  	[smem:$0x3FB5] =	sst s10  }
0x32: {  	s10 =	sld [smem:$0x3FB3];
	_ =	sdelay $0x3  }
0x33: {  	p0 =	seq.s32 s10, $0x1;
	s10 =	sld [smem:$0x3FB5];
	_ =	sdelay $0x3  }
0x34: {  	[smem:$0x3FB5] =	sst s10  }
0x35: {  	s10 =	sld [smem:$0x3FB4];
	_ =	sdelay $0x3  }
0x36: {  	p1 =	seq.s32 s10, $0x1;
	s10 =	sld [smem:$0x3FB5];
	_ =	sdelay $0x3  }
0x37: {  	[smem:$0x3FB5] =	sst s10  }
0x38: {  	s10 =	sld [smem:$0x3FB6]  }
0x39: {  	_ = 	snop;
	(pc) =	sbr.ind lr, $3  }
0x3a: {  	_ = 	snop  }
0x3b: {  	_ = 	snop  }
0x3c: {  	p2 =	seq.s32 s10, $0x1;
	s10 =	sld [smem:$0x3FB5]  }
0x3d: {  	_ =	shalt  }
0x3e: {  	_ =	shalt  }
0x3f: {  	_ =	shalt  }
0x40: {  	_ =	shalt  }
0x41: {  	_ =	shalt  }
0x42: {  	_ =	shalt  }
0x43: {  	_ =	shalt  }
0x44: {  	_ =	shalt  }
0x45: {  	_ =	shalt  }
0x46: {  	_ =	shalt  }
0x47: {  	_ =	shalt  }
0x48: {  	_ =	shalt  }
0x49: {  	_ =	shalt  }
0x4a: {  	_ =	shalt  }
0x4b: {  	_ =	shalt  }
0x4c: {  	_ =	shalt  }
0x4d: {  	_ =	shalt  }
0x4e: {  	_ =	shalt  }
0x4f: {  	_ =	shalt  }
0x50: {  	_ =	shalt  }
0x51: {  	_ =	shalt  }
0x52: {  	_ =	shalt  }
0x53: {  	_ =	shalt  }
0x54: {  	_ =	shalt  }
0x55: {  	_ =	shalt  }
0x56: {  	_ =	shalt  }
0x57: {  	_ =	shalt  }
0x58: {  	_ =	shalt  }
0x59: {  	_ =	shalt  }
0x5a: {  	_ =	shalt  }
0x5b: {  	_ =	shalt  }
0x5c: {  	_ =	shalt  }
0x5d: {  	_ =	shalt  }
0x5e: {  	_ =	shalt  }
0x5f: {  	_ =	shalt  }
0x60: {  	_ =	shalt  }
0x61: {  	_ =	shalt  }
0x62: {  	_ =	shalt  }
0x63: {  	_ =	shalt  }
0x64: {  	_ =	shalt  }
0x65: {  	_ =	shalt  }
0x66: {  	_ =	shalt  }
0x67: {  	_ =	shalt  }
0x68: {  	_ =	shalt  }
0x69: {  	_ =	shalt  }
0x6a: {  	_ =	shalt  }
0x6b: {  	_ =	shalt  }
0x6c: {  	_ =	shalt  }
0x6d: {  	_ =	shalt  }
0x6e: {  	_ =	shalt  }
0x6f: {  	_ =	shalt  }
0x70: {  	_ =	shalt  }
0x71: {  	_ =	shalt  }
0x72: {  	_ =	shalt  }
0x73: {  	_ =	shalt  }
0x74: {  	_ =	shalt  }
0x75: {  	_ =	shalt  }
0x76: {  	_ =	shalt  }
0x77: {  	_ =	shalt  }
0x78: {  	_ =	shalt  }
0x79: {  	_ =	shalt  }
0x7a: {  	_ =	shalt  }
0x7b: {  	_ =	shalt  }
0x7c: {  	_ =	shalt  }
0x7d: {  	_ =	shalt  }
0x7e: {  	_ =	shalt  }
0x7f: {  	_ =	shalt  }
0x80: {  	_ =	shalt  }
0x81: {  	_ =	shalt  }
0x82: {  	_ =	shalt  }
0x83: {  	_ =	shalt  }
0x84: {  	_ =	shalt  }
0x85: {  	_ =	shalt  }
0x86: {  	_ =	shalt  }
0x87: {  	_ =	shalt  }
.Lfunc_end0:
.L_simem_size_0:
called_computation.1_lowered:
.L_overlay_start_0:
0x88: {  	s2 =	sld [smem:$0x3FD9]  }
0x89: {  	s3 =	sld [smem:$0x3FFE];
	_ =	sdelay $0x1  }
0x8a: {  	s1 =	srdreg.scid  }
0x8b: {  	s0 =	sand.u32 $0x1, s1  }
0x8c: {  	s17 =	sshll.u32 s0, $0xA;
	s2 =	sadd.s32 s3, s2  }
0x8d: {  	s2 =	sadd.s32 s2, s17  }
0x8e: {  	[smem:$0x3FC1] =	sst s2  }
0x8f: {  	_ = 	snop  }
0x90: {  	s18 =	sld [smem:$0x3FC7];
	(tm) =	ssettm $0x1  }
0x91: {  	s19 =	sld [smem:$0x3FFB];
	_ =	sdelay $0x3  }
0x92: {  	_ =	strace s19  }
0x93: {  	s2 =	sld [smem:$0x3FFC];
	_ =	sdelay $0x3  }
0x94: {  	_ =	strace s2  }
0x95: {  	s2 =	sld [smem:$0x3FFD];
	_ =	sdelay $0x3  }
0x96: {  	_ =	strace s2  }
0x97: {  	_ =	strace $0x8FFFFFFF  }
0x98: {  	s20 =	sld [smem:$0x3FDB];
	_ =	sdelay $0x1  }
0x99: {  	s4 =	simm.s32 $_scs_section_size  }
0x9a: {  	s5 =	simm.s32 $_size__tile_overlayer_lowered;
	s6 =	simm.s32 $_tile_overlayer_lowered  }
0x9b: {  	s7 =	simm.s32 $0x1BFF;
	s21 =	sshll.u32 s6, $0x1;
	s4 =	sadd.s32 s4, s20  }
0x9c: {  	s22 =	simm.s32 $0x0;
	s5 =	sshll.u32 s5, $0x1;
	s6 =	sadd.s32 s21, s4  }
0x9d: {  	[timem:s22], [sflag:s7] =	dma.local [hbm:s6], s5  }
0x9e: {  	_ =	swait.ge [sflag:s7], s5  }
0x9f: {  	s5 =	ssub.s32 $0x0, s5;
	[sflag:s7] =	ssyncset.done $0x0  }
0xa0: {  	[sflag:s7] =	ssyncadd.s32 s5;
	_ =	sdelay $0x1  }
0xa1: {  	s23 =	simm.s32 $0x1B8B  }
0xa2: {  	_ =	swait.ge [sflag:s23], $0x1  }
0xa3: {  	[sflag:s23] =	ssyncset.done $0x0  }
0xa4: {  	[sflag:s23] =	ssyncadd.s32 $0xFFFFFFFF  }
0xa5: {  	s5 =	sld [smem:$0x0]  }
0xa6: {  	s6 =	sand.u32 $0xFFFFFFFE, s1  }
0xa7: {  	p0 =	sne.s32 s1, s6  }
0xa8: {  	s6 =	sshll.u32 @p0 s6, $0xE  }
0xa9: {  	s6 =	sadd.s32 @p0 $0x11B8D, s6;
	s7 =	sshll.u32 @p0 s5, $0x11  }
0xaa: {  	s6 =	sor.u32 @p0 s7, s6  }
0xab: {  	[sflag:s6] =	ssyncadd.remote.s32 @p0 $0x1;
	_ =	sdelay $0x1  }
0xac: {  	s6 =	simm.s32 @p0 $0x1B8D  }
0xad: {  	_ =	swait.eq @p0 [sflag:s6], $0x1  }
0xae: {  	[sflag:s6] =	ssyncadd.s32 @p0 $0xFFFFFFFF  }
0xaf: {  	s7 =	sshll.u32 @!p0 s1, $0xE  }
0xb0: {  	s7 =	sor.u32 @!p0 $0x4000, s7;
	s6 =	simm.s32 @!p0 $0x1B8D  }
0xb1: {  	s5 =	sshll.u32 @!p0 s5, $0x11;
	s7 =	sadd.s32 @!p0 $0x11B8D, s7;
	_ =	swait.eq @!p0 [sflag:s6], $0x1  }
0xb2: {  	s5 =	sor.u32 @!p0 s5, s7;
	[sflag:s6] =	ssyncadd.s32 @!p0 $0xFFFFFFFF  }
0xb3: {  	s25 =	simm.s32 $0x1B8E;
	s24 =	sld [smem:$0x3FFE];
	[sflag:s5] =	ssyncadd.remote.s32 @!p0 $0x1  }
0xb4: {  	s26 =	simm.s32 $execute0_lowered;
	[smem:$0x3FD2] =	sst s25  }
0xb5: {  	s6 =	sshll.u32 s26, $0x1;
	_ =	strace $0x80000049;
	[dreg:$0x1] =	wrdreg $0xFFFFFFFF  }
0xb6: {  	s28 =	simm.s32 $_size_execute0_lowered;
	s4 =	sadd.s32 s4, s6;
	[dreg:$0x0] =	wrdreg $0x0  }
0xb7: {  	s6 =	sshll.u32 s28, $0x1;
	[dreg:$0x2] =	wrdreg s4  }
0xb8: {  	[dreg:$0x3] =	wrdreg s6  }
0xb9: {  	[dreg:$0x4] =	wrdreg $0xC0  }
0xba: {  	_ =	task [dreg:s22], $0x5FFFF  }
0xbb: {  	[dreg:$0x1] =	wrdreg $0xFFFFFFFF  }
0xbc: {  	[dreg:$0x0] =	wrdreg $0x60  }
0xbd: {  	[dreg:$0x2] =	wrdreg s24  }
0xbe: {  	[dreg:$0x3] =	wrdreg s18  }
0xbf: {  	[dreg:$0x4] =	wrdreg $0xA  }
0xc0: {  	_ =	task.clear_ibuf [dreg:s22], $0x5FFFF;
	_ =	strace $0x90000049  }
0xc1: {  	s29 =	simm.s32 $0xA;
	_ =	strace $0x8000004B  }
0xc2: {  	_ =	swait.ge [sflag:s29], $0x1  }
0xc3: {  	[sflag:s29] =	ssyncadd.s32 $0xFFFFFFFF  }
0xc4: {  	_ =	strace $0x9000004B  }
0xc5: {  	_ =	sfence  }
0xc6: {  	s30 =	sld [smem:$0x0];
	_ =	sdelay $0x2  }
0xc7: {  	s31 =	sshll.u32 s1, $0xD;
	s1 =	sshrl.u32 s1, $0x2  }
0xc8: {  	s4 =	sand.u32 $0x4000, s31;
	s1 =	sadd.s32 s1, s30  }
0xc9: {  	s0 =	sor.u32 s4, s0;
	s1 =	sshll.u32 s1, $0x11  }
0xca: {  	s0 =	sor.u32 s1, s0  }
0xcb: {  	s0 =	sadd.s32 $0x8F2B, s0  }
0xcc: {  	[sflag:s0] =	ssyncadd.remote.s32 $0x1  }
0xcd: {  	_ =	sfence.sel $0xFFFF  }
0xce: {  	[dreg:$0x0] =	wrdreg $0xFFFFFFFF;
	(pc) =	sbr.abs _section_cstart, $3  }
0xcf: {  	[dreg:$0x1] =	wrdreg $0xFFFFFFFF  }
0xd0: {  	_ =	task.clear_ibuf [dreg:s22], $0x2FFFF;
	_ =	strace $0x9FFFFFFF  }
0xd1: {  	(tm) =	ssettm $0x7FFFFFFF  }
tec
execute0_lowered:
.L_overlay_start_1:
0x0: {  	(tag) =	ssettag $0x1  }
0x1: {  	s5 =	rddreg [dreg:$0x0]  }
0x2: {  	s2 =	rddreg [dreg:$0x1];
	s3 =	simm.s32 $0x0  }
0x3: {  	s22 =	simm.s32 $0x900;
	[smem:$0x7FF] =	sst s3  }
0x4: {  	s23 =	simm.s32 $0x1100;
	_ =	strace $0x8000004A;
	[dreg:$0x7] =	wrdreg s22  }
0x5: {  	s24 =	simm.s32 $0x1900;
	[dreg:$0x8] =	wrdreg s23  }
0x6: {  	s25 =	simm.s32 $0x2100;
	[dreg:$0x9] =	wrdreg s24  }
0x7: {  	s0 =	stileid.u32;
	s26 =	simm.s32 $0x2900;
	[dreg:$0xa] =	wrdreg s25  }
0x8: {  	s4 =	sshll.u32 s0, $0x1;
	s0 =	simm.s32 $0x3100;
	[dreg:$0xb] =	wrdreg s26  }
0x9: {  	s9 =	simm.s32 $0x5900;
	[dreg:$0xc] =	wrdreg s0  }
0xa: {  	s10 =	simm.s32 $0x6100;
	[dreg:$0x11] =	wrdreg s9  }
0xb: {  	s11 =	simm.s32 $0x6900;
	[dreg:$0x12] =	wrdreg s10  }
0xc: {  	s12 =	simm.s32 $0x7100;
	[dreg:$0x13] =	wrdreg s11  }
0xd: {  	s1 =	srdreg.scid;
	s13 =	simm.s32 $0x7900;
	[dreg:$0x14] =	wrdreg s12  }
0xe: {  	s14 =	simm.s32 $0x8100;
	s15 =	simm.s32 $0x8900;
	[dreg:$0x15] =	wrdreg s13  }
0xf: {  	s16 =	simm.s32 $0x9100;
	s17 =	simm.s32 $0x9900;
	[dreg:$0x16] =	wrdreg s14  }
0x10: {  	s18 =	simm.s32 $0xA100;
	s28 =	simm.s32 $0x16900;
	[dreg:$0x17] =	wrdreg s15  }
0x11: {  	s29 =	simm.s32 $0x17100;
	s30 =	simm.s32 $0x17900;
	[dreg:$0x18] =	wrdreg s16  }
0x12: {  	s31 =	simm.s32 $0x1;
	s1 =	sand.u32 $0x1, s1;
	[dreg:$0x19] =	wrdreg s17  }
0x13: {  	s6 =	sor.u32 s1, s4;
	s1 =	ssub.s32 $0x2, s1;
	[dreg:$0x1a] =	wrdreg s18  }
0x14: {  	s22 =	simm.s32 $0xB900;
	s23 =	simm.s32 $0x80;
	s24 =	simm.s32 $0xC900  }
0x15: {  	s25 =	simm.s32 $0xD100;
	s26 =	simm.s32 $0xD900;
	s9 =	simm.s32 $0xC100  }
0x16: {  	s12 =	simm.s32 $0xF100;
	s13 =	simm.s32 $0xF900;
	s14 =	simm.s32 $0x10100  }
0x17: {  	s15 =	simm.s32 $0x10900;
	s16 =	simm.s32 $0x11100;
	[dreg:$0x1d] =	wrdreg s22  }
0x18: {  	s17 =	simm.s32 $0x11900;
	s18 =	simm.s32 $0x12100;
	[dreg:$0x1e] =	wrdreg s23  }
0x19: {  	s7 =	sshll.u32 s6, $0x5;
	s19 =	smul.u32 $0x18000, s6;
	[dreg:$0x1f] =	wrdreg s24  }
0x1a: {  	s6 =	smul.u32 $0x3000, s6;
	[smem:$0x7FC] =	sst s25;
	s4 =	sor.u32 s4, s7  }
0x1b: {  	[smem:$0x7FD] =	sst s26;
	s22 =	simm.s32 $0x14100;
	s4 =	sand.u32 $0x1F0, s4  }
0x1c: {  	s23 =	simm.s32 $0x14900;
	s24 =	simm.s32 $0x15100;
	s4 =	sadd.s32 s4, s5  }
0x1d: {  	s25 =	simm.s32 $0x15900;
	s26 =	simm.s32 $0x16100;
	s8 =	sadd.s32 $0x1A00, s4  }
0x1e: {  	s5 =	sadd.s32 $0x1C00, s5;
	s4 =	sadd.s32 $0x1A08, s4;
	[dreg:$0x3] =	wrdreg s8  }
0x1f: {  	s7 =	sshrl.u32 s19, $0x3;
	s20 =	sadd.s32 s5, s6;
	[dreg:$0x4] =	wrdreg s4  }
0x20: {  	s19 =	sshrl.u32 s1, $0x1;
	s6 =	simm.s32 $0x4100;
	[dreg:$0x5] =	wrdreg s20  }
0x21: {  	s5 =	sadd.s32 s5, s7;
	s7 =	simm.s32 $0x4900;
	[dreg:$0xe] =	wrdreg s6  }
0x22: {  	s1 =	ssub.s32 s1, s19;
	s21 =	sadd.s32 $0x1800, s5;
	[dreg:$0xf] =	wrdreg s7  }
0x23: {  	s19 =	simm.s32 $0x12900;
	s5 =	simm.s32 $0x3900;
	[dreg:$0x6] =	wrdreg s21  }
0x24: {  	s8 =	simm.s32 $0x5100;
	s20 =	simm.s32 $0xA900;
	[dreg:$0xd] =	wrdreg s5  }
0x25: {  	s4 =	sadd.s32 $0x100, s2;
	s6 =	smax.u32 s1, $0x1;
	[dreg:$0x10] =	wrdreg s8  }
0x26: {  	v2 =	vlaneseq.u32;
	s7 =	simm.s32 $0x3;
	s1 =	simm.s32 $0x2;
	[dreg:$0x1b] =	wrdreg s20  }
0x27: {  	vm0 =	vmmov $0xffff;
	v1 =	vshrl.u32 v2, $0x3;
	s21 =	simm.s32 $0xB100;
	s5 =	sadd.s32 $0x200, s2;
	s8 =	simm.s32 $0x100  }
0x28: {  	v0 =	vand.u32 $0x7, v2;
	v2 =	vor.u32 $0x8, v2;
	v1 =	vmul.u32 $0x8, v1;
	s20 =	simm.s32 $0x13100;
	[dreg:$0x1c] =	wrdreg s21;
	s21 =	simm.s32 $0x13900  }
.LBB2_1:
0x29: {  	s0 =	rddreg [dreg:$0x3]  }
0x2a: {  	[tilespmem:s3], [sflag:$0x3] =	stream.linear.gather [hbm4b:s0+s3], $0x40, $0x38;
	[tilespmem:$0x18100] =	vst v63  }
0x2b: {  	_ =	swait.ge [sflag:s7], $0x40  }
0x2c: {  	[sflag:s7] =	ssyncset.done $0x0  }
0x2d: {  	[sflag:s7] =	ssyncadd.s32 $0xFFFFFFC0  }
0x2e: {  	v3 =	vld [tilespmem:$0x0];
	_ =	sdelay $0x4  }
0x2f: {  	v4 =	vshrl.u32 v3, $0x3  }
0x30: {  	v4 =	vmul.u32 $0x30, v4  }
0x31: {  	v3 =	vand.u32 $0x7, v3  }
0x32: {  	v3 =	vor.u32 v3, v4  }
0x33: {  	v4 =	vperm.xlane v3, v0;
	_ =	sdelay $0x1  }
0x34: {  	v4 =	vadd.s32 v1, v4;
	_ =	sdelay $0x3  }
0x35: {  	v3 =	vperm.xlane v3, v2  }
0x36: {  	[tilespmem:s8], [sflag:$0x1] =	stream.indirect_vreg.gather [hbm4b:s2+s3], $0x80, v4, vm0, $0xb8;
	[tilespmem:$0x18100] =	vst v63  }
0x37: {  	s11 =	rddreg [dreg:$0x7];
	v3 =	vadd.s32 v1, v3  }
0x38: {  	[tilespmem:s11], [sflag:$0x1] =	stream.indirect_vreg.gather [hbm4b:s4+s3], $0x80, v4, vm0, $0xb8;
	[tilespmem:$0x18100] =	vst v63  }
0x39: {  	s10 =	rddreg [dreg:$0x8]  }
0x3a: {  	[tilespmem:s10], [sflag:$0x1] =	stream.indirect_vreg.gather [hbm4b:s5+s3], $0x80, v4, vm0, $0xb8;
	[tilespmem:$0x18100] =	vst v63  }
0x3b: {  	s11 =	rddreg [dreg:$0x9]  }
0x3c: {  	[tilespmem:s11], [sflag:$0x1] =	stream.indirect_vreg.gather [hbm4b:s2+s3], $0x80, v3, vm0, $0xb8;
	[tilespmem:$0x18100] =	vst v63  }
0x3d: {  	s10 =	rddreg [dreg:$0xa]  }
0x3e: {  	[tilespmem:s10], [sflag:$0x1] =	stream.indirect_vreg.gather [hbm4b:s4+s3], $0x80, v3, vm0, $0xb8;
	[tilespmem:$0x18100] =	vst v63  }
0x3f: {  	s11 =	rddreg [dreg:$0xb]  }
0x40: {  	[tilespmem:s11], [sflag:$0x1] =	stream.indirect_vreg.gather [hbm4b:s5+s3], $0x80, v3, vm0, $0xb8;
	[tilespmem:$0x18100] =	vst v63  }
0x41: {  	v3 =	vld [tilespmem:$0x10];
	_ =	sdelay $0x4  }
0x42: {  	v57 =	vshrl.u32 v3, $0x3  }
0x43: {  	v4 =	vmul.u32 $0x30, v57  }
0x44: {  	v3 =	vand.u32 $0x7, v3  }
0x45: {  	v3 =	vor.u32 v3, v4  }
0x46: {  	v4 =	vperm.xlane v3, v0;
	_ =	sdelay $0x1  }
0x47: {  	v4 =	vadd.s32 v1, v4;
	_ =	sdelay $0x3  }
0x48: {  	s10 =	rddreg [dreg:$0xc];
	v3 =	vperm.xlane v3, v2  }
0x49: {  	[tilespmem:s10], [sflag:$0x1] =	stream.indirect_vreg.gather [hbm4b:s2+s3], $0x80, v4, vm0, $0xb8;
	[tilespmem:$0x18100] =	vst v63  }
0x4a: {  	s11 =	rddreg [dreg:$0xd];
	v3 =	vadd.s32 v1, v3  }
0x4b: {  	[tilespmem:s11], [sflag:$0x1] =	stream.indirect_vreg.gather [hbm4b:s4+s3], $0x80, v4, vm0, $0xb8;
	[tilespmem:$0x18100] =	vst v63  }
0x4c: {  	s0 =	rddreg [dreg:$0xe]  }
0x4d: {  	[tilespmem:s0], [sflag:$0x1] =	stream.indirect_vreg.gather [hbm4b:s5+s3], $0x80, v4, vm0, $0xb8;
	[tilespmem:$0x18100] =	vst v63  }
0x4e: {  	s11 =	rddreg [dreg:$0xf]  }
0x4f: {  	[tilespmem:s11], [sflag:$0x1] =	stream.indirect_vreg.gather [hbm4b:s2+s3], $0x80, v3, vm0, $0xb8;
	[tilespmem:$0x18100] =	vst v63  }
0x50: {  	s0 =	rddreg [dreg:$0x10]  }
0x51: {  	[tilespmem:s0], [sflag:$0x1] =	stream.indirect_vreg.gather [hbm4b:s4+s3], $0x80, v3, vm0, $0xb8;
	[tilespmem:$0x18100] =	vst v63  }
0x52: {  	s11 =	rddreg [dreg:$0x11]  }
0x53: {  	[tilespmem:s11], [sflag:$0x1] =	stream.indirect_vreg.gather [hbm4b:s5+s3], $0x80, v3, vm0, $0xb8;
	[tilespmem:$0x18100] =	vst v63  }
0x54: {  	v3 =	vld [tilespmem:$0x20];
	_ =	sdelay $0x4  }
0x55: {  	v58 =	vshrl.u32 v3, $0x3  }
0x56: {  	v4 =	vmul.u32 $0x30, v58  }
0x57: {  	v3 =	vand.u32 $0x7, v3  }
0x58: {  	v3 =	vor.u32 v3, v4  }
0x59: {  	v4 =	vperm.xlane v3, v0;
	_ =	sdelay $0x1  }
0x5a: {  	v4 =	vadd.s32 v1, v4;
	_ =	sdelay $0x3  }
0x5b: {  	s10 =	rddreg [dreg:$0x12];
	v3 =	vperm.xlane v3, v2  }
0x5c: {  	[tilespmem:s10], [sflag:$0x1] =	stream.indirect_vreg.gather [hbm4b:s2+s3], $0x80, v4, vm0, $0xb8;
	[tilespmem:$0x18100] =	vst v63  }
0x5d: {  	s11 =	rddreg [dreg:$0x13];
	v3 =	vadd.s32 v1, v3  }
0x5e: {  	[tilespmem:s11], [sflag:$0x1] =	stream.indirect_vreg.gather [hbm4b:s4+s3], $0x80, v4, vm0, $0xb8;
	[tilespmem:$0x18100] =	vst v63  }
0x5f: {  	s0 =	rddreg [dreg:$0x14]  }
0x60: {  	[tilespmem:s0], [sflag:$0x1] =	stream.indirect_vreg.gather [hbm4b:s5+s3], $0x80, v4, vm0, $0xb8;
	[tilespmem:$0x18100] =	vst v63  }
0x61: {  	s11 =	rddreg [dreg:$0x15]  }
0x62: {  	[tilespmem:s11], [sflag:$0x1] =	stream.indirect_vreg.gather [hbm4b:s2+s3], $0x80, v3, vm0, $0xb8;
	[tilespmem:$0x18100] =	vst v63  }
0x63: {  	s0 =	rddreg [dreg:$0x16]  }
0x64: {  	[tilespmem:s0], [sflag:$0x1] =	stream.indirect_vreg.gather [hbm4b:s4+s3], $0x80, v3, vm0, $0xb8;
	[tilespmem:$0x18100] =	vst v63  }
0x65: {  	s11 =	rddreg [dreg:$0x17]  }
0x66: {  	[tilespmem:s11], [sflag:$0x1] =	stream.indirect_vreg.gather [hbm4b:s5+s3], $0x80, v3, vm0, $0xb8;
	[tilespmem:$0x18100] =	vst v63  }
0x67: {  	v3 =	vld [tilespmem:$0x30];
	_ =	sdelay $0x4  }
0x68: {  	v59 =	vshrl.u32 v3, $0x3  }
0x69: {  	v4 =	vmul.u32 $0x30, v59  }
0x6a: {  	v3 =	vand.u32 $0x7, v3  }
0x6b: {  	v3 =	vor.u32 v3, v4  }
0x6c: {  	v4 =	vperm.xlane v3, v0;
	_ =	sdelay $0x1  }
0x6d: {  	v4 =	vadd.s32 v1, v4;
	_ =	sdelay $0x2  }
0x6e: {  	s10 =	rddreg [dreg:$0x19]  }
0x6f: {  	s11 =	rddreg [dreg:$0x18];
	v3 =	vperm.xlane v3, v2  }
0x70: {  	[tilespmem:s11], [sflag:$0x1] =	stream.indirect_vreg.gather [hbm4b:s2+s3], $0x80, v4, vm0, $0xb8;
	[tilespmem:$0x18100] =	vst v63  }
0x71: {  	s0 =	rddreg [dreg:$0x1d];
	v3 =	vadd.s32 v1, v3  }
0x72: {  	[tilespmem:s10], [sflag:$0x1] =	stream.indirect_vreg.gather [hbm4b:s4+s3], $0x80, v4, vm0, $0xb8;
	[tilespmem:$0x18100] =	vst v63  }
0x73: {  	s11 =	rddreg [dreg:$0x1a]  }
0x74: {  	[tilespmem:s11], [sflag:$0x1] =	stream.indirect_vreg.gather [hbm4b:s5+s3], $0x80, v4, vm0, $0xb8;
	[tilespmem:$0x18100] =	vst v63  }
0x75: {  	s10 =	rddreg [dreg:$0x1b]  }
0x76: {  	[tilespmem:s10], [sflag:$0x1] =	stream.indirect_vreg.gather [hbm4b:s2+s3], $0x80, v3, vm0, $0xb8;
	[tilespmem:$0x18100] =	vst v63  }
0x77: {  	s11 =	rddreg [dreg:$0x1c]  }
0x78: {  	[tilespmem:s11], [sflag:$0x1] =	stream.indirect_vreg.gather [hbm4b:s4+s3], $0x80, v3, vm0, $0xb8;
	[tilespmem:$0x18100] =	vst v63  }
0x79: {  	s10 =	rddreg [dreg:$0x4]  }
0x7a: {  	[tilespmem:s0], [sflag:$0x1] =	stream.indirect_vreg.gather [hbm4b:s5+s3], $0x80, v3, vm0, $0xb8;
	[tilespmem:$0x18100] =	vst v63  }
0x7b: {  	s11 =	rddreg [dreg:$0x1e]  }
0x7c: {  	[tilespmem:s11], [sflag:$0x3] =	stream.linear.gather [hbm4b:s10+s3], $0x40, $0x38;
	[tilespmem:$0x18100] =	vst v63  }
0x7d: {  	_ =	swait.ge [sflag:s7], $0x40  }
0x7e: {  	[sflag:s7] =	ssyncset.done $0x0  }
0x7f: {  	[sflag:s7] =	ssyncadd.s32 $0xFFFFFFC0  }
0x80: {  	v3 =	vld [tilespmem:$0x80];
	_ =	sdelay $0x4  }
0x81: {  	v60 =	vshrl.u32 v3, $0x3  }
0x82: {  	v4 =	vmul.u32 $0x30, v60  }
0x83: {  	v3 =	vand.u32 $0x7, v3  }
0x84: {  	v3 =	vor.u32 v3, v4  }
0x85: {  	v4 =	vperm.xlane v3, v0;
	_ =	sdelay $0x1  }
0x86: {  	v4 =	vadd.s32 v1, v4;
	_ =	sdelay $0x3  }
0x87: {  	s11 =	rddreg [dreg:$0x1f];
	v3 =	vperm.xlane v3, v2  }
0x88: {  	[tilespmem:s9], [sflag:$0x2] =	stream.indirect_vreg.gather [hbm4b:s2+s3], $0x80, v4, vm0, $0xb8;
	[tilespmem:$0x18100] =	vst v63  }
0x89: {  	s10 =	sld [smem:$0x7FC];
	v3 =	vadd.s32 v1, v3  }
0x8a: {  	[tilespmem:s11], [sflag:$0x2] =	stream.indirect_vreg.gather [hbm4b:s4+s3], $0x80, v4, vm0, $0xb8;
	[tilespmem:$0x18100] =	vst v63  }
0x8b: {  	s11 =	sld [smem:$0x7FD]  }
0x8c: {  	[tilespmem:s10], [sflag:$0x2] =	stream.indirect_vreg.gather [hbm4b:s5+s3], $0x80, v4, vm0, $0xb8;
	[tilespmem:$0x18100] =	vst v63  }
0x8d: {  	_ = 	snop  }
0x8e: {  	[tilespmem:s11], [sflag:$0x2] =	stream.indirect_vreg.gather [hbm4b:s2+s3], $0x80, v3, vm0, $0xb8;
	[tilespmem:$0x18100] =	vst v63  }
0x8f: {  	s10 =	simm.s32 $0xE100  }
0x90: {  	[tilespmem:s10], [sflag:$0x2] =	stream.indirect_vreg.gather [hbm4b:s4+s3], $0x80, v3, vm0, $0xb8;
	[tilespmem:$0x18100] =	vst v63  }
0x91: {  	s11 =	simm.s32 $0xE900  }
0x92: {  	[tilespmem:s11], [sflag:$0x2] =	stream.indirect_vreg.gather [hbm4b:s5+s3], $0x80, v3, vm0, $0xb8;
	[tilespmem:$0x18100] =	vst v63  }
0x93: {  	v3 =	vld [tilespmem:$0x90];
	_ =	sdelay $0x4  }
0x94: {  	v61 =	vshrl.u32 v3, $0x3  }
0x95: {  	v4 =	vmul.u32 $0x30, v61  }
0x96: {  	v3 =	vand.u32 $0x7, v3  }
0x97: {  	v3 =	vor.u32 v3, v4  }
0x98: {  	v4 =	vperm.xlane v3, v0;
	_ =	sdelay $0x1  }
0x99: {  	v4 =	vadd.s32 v1, v4;
	_ =	sdelay $0x3  }
0x9a: {  	v3 =	vperm.xlane v3, v2  }
0x9b: {  	[tilespmem:s12], [sflag:$0x2] =	stream.indirect_vreg.gather [hbm4b:s2+s3], $0x80, v4, vm0, $0xb8;
	[tilespmem:$0x18100] =	vst v63  }
0x9c: {  	v3 =	vadd.s32 v1, v3  }
0x9d: {  	[tilespmem:s13], [sflag:$0x2] =	stream.indirect_vreg.gather [hbm4b:s4+s3], $0x80, v4, vm0, $0xb8;
	[tilespmem:$0x18100] =	vst v63  }
0x9e: {  	_ = 	snop  }
0x9f: {  	[tilespmem:s14], [sflag:$0x2] =	stream.indirect_vreg.gather [hbm4b:s5+s3], $0x80, v4, vm0, $0xb8;
	[tilespmem:$0x18100] =	vst v63  }
0xa0: {  	_ = 	snop  }
0xa1: {  	[tilespmem:s15], [sflag:$0x2] =	stream.indirect_vreg.gather [hbm4b:s2+s3], $0x80, v3, vm0, $0xb8;
	[tilespmem:$0x18100] =	vst v63  }
0xa2: {  	_ = 	snop  }
0xa3: {  	[tilespmem:s16], [sflag:$0x2] =	stream.indirect_vreg.gather [hbm4b:s4+s3], $0x80, v3, vm0, $0xb8;
	[tilespmem:$0x18100] =	vst v63  }
0xa4: {  	_ = 	snop  }
0xa5: {  	[tilespmem:s17], [sflag:$0x2] =	stream.indirect_vreg.gather [hbm4b:s5+s3], $0x80, v3, vm0, $0xb8;
	[tilespmem:$0x18100] =	vst v63  }
0xa6: {  	v3 =	vld [tilespmem:$0xA0];
	_ =	sdelay $0x4  }
0xa7: {  	v62 =	vshrl.u32 v3, $0x3  }
0xa8: {  	v4 =	vmul.u32 $0x30, v62  }
0xa9: {  	v3 =	vand.u32 $0x7, v3  }
0xaa: {  	v3 =	vor.u32 v3, v4  }
0xab: {  	v4 =	vperm.xlane v3, v0;
	_ =	sdelay $0x1  }
0xac: {  	v4 =	vadd.s32 v1, v4;
	_ =	sdelay $0x3  }
0xad: {  	v3 =	vperm.xlane v3, v2  }
0xae: {  	[tilespmem:s18], [sflag:$0x2] =	stream.indirect_vreg.gather [hbm4b:s2+s3], $0x80, v4, vm0, $0xb8;
	[tilespmem:$0x18100] =	vst v63  }
0xaf: {  	v3 =	vadd.s32 v1, v3  }
0xb0: {  	[tilespmem:s19], [sflag:$0x2] =	stream.indirect_vreg.gather [hbm4b:s4+s3], $0x80, v4, vm0, $0xb8;
	[tilespmem:$0x18100] =	vst v63  }
0xb1: {  	_ = 	snop  }
0xb2: {  	[tilespmem:s20], [sflag:$0x2] =	stream.indirect_vreg.gather [hbm4b:s5+s3], $0x80, v4, vm0, $0xb8;
	[tilespmem:$0x18100] =	vst v63  }
0xb3: {  	_ = 	snop  }
0xb4: {  	[tilespmem:s21], [sflag:$0x2] =	stream.indirect_vreg.gather [hbm4b:s2+s3], $0x80, v3, vm0, $0xb8;
	[tilespmem:$0x18100] =	vst v63  }
0xb5: {  	_ = 	snop  }
0xb6: {  	[tilespmem:s22], [sflag:$0x2] =	stream.indirect_vreg.gather [hbm4b:s4+s3], $0x80, v3, vm0, $0xb8;
	[tilespmem:$0x18100] =	vst v63  }
0xb7: {  	_ = 	snop  }
0xb8: {  	[tilespmem:s23], [sflag:$0x2] =	stream.indirect_vreg.gather [hbm4b:s5+s3], $0x80, v3, vm0, $0xb8;
	[tilespmem:$0x18100] =	vst v63  }
0xb9: {  	v3 =	vld [tilespmem:$0xB0];
	_ =	sdelay $0x4  }
0xba: {  	v63 =	vshrl.u32 v3, $0x3  }
0xbb: {  	v4 =	vmul.u32 $0x30, v63  }
0xbc: {  	v3 =	vand.u32 $0x7, v3  }
0xbd: {  	v3 =	vor.u32 v3, v4  }
0xbe: {  	v4 =	vperm.xlane v3, v0;
	_ =	sdelay $0x1  }
0xbf: {  	v4 =	vadd.s32 v1, v4;
	_ =	sdelay $0x3  }
0xc0: {  	v3 =	vperm.xlane v3, v2  }
0xc1: {  	[tilespmem:s24], [sflag:$0x2] =	stream.indirect_vreg.gather [hbm4b:s2+s3], $0x80, v4, vm0, $0xb8;
	[tilespmem:$0x18100] =	vst v63  }
0xc2: {  	v3 =	vadd.s32 v1, v3  }
0xc3: {  	[tilespmem:s25], [sflag:$0x2] =	stream.indirect_vreg.gather [hbm4b:s4+s3], $0x80, v4, vm0, $0xb8;
	[tilespmem:$0x18100] =	vst v63  }
0xc4: {  	_ = 	snop  }
0xc5: {  	[tilespmem:s26], [sflag:$0x2] =	stream.indirect_vreg.gather [hbm4b:s5+s3], $0x80, v4, vm0, $0xb8;
	[tilespmem:$0x18100] =	vst v63  }
0xc6: {  	_ = 	snop  }
0xc7: {  	[tilespmem:s28], [sflag:$0x2] =	stream.indirect_vreg.gather [hbm4b:s2+s3], $0x80, v3, vm0, $0xb8;
	[tilespmem:$0x18100] =	vst v63  }
0xc8: {  	_ = 	snop  }
0xc9: {  	[tilespmem:s29], [sflag:$0x2] =	stream.indirect_vreg.gather [hbm4b:s4+s3], $0x80, v3, vm0, $0xb8;
	[tilespmem:$0x18100] =	vst v63  }
0xca: {  	_ = 	snop  }
0xcb: {  	[tilespmem:s30], [sflag:$0x2] =	stream.indirect_vreg.gather [hbm4b:s5+s3], $0x80, v3, vm0, $0xb8;
	[tilespmem:$0x18100] =	vst v63  }
0xcc: {  	_ =	swait.ge [sflag:s31], $0xC000  }
0xcd: {  	[sflag:s31] =	ssyncset.done $0x0  }
0xce: {  	s10 =	rddreg [dreg:$0x5];
	[sflag:s31] =	ssyncadd.s32 $0xFFFF4000  }
0xcf: {  	[hbm4b:s10+s3] =	stream.linear.scatter [tilespmem:s8], [sflag:$0x3], $0xC000, $0x38;
	[tilespmem:$0x18100] =	vst v63  }
0xd0: {  	_ =	swait.ge [sflag:s7], $0xC000  }
0xd1: {  	[sflag:s7] =	ssyncset.done $0x0  }
0xd2: {  	[sflag:s7] =	ssyncadd.s32 $0xFFFF4000  }
0xd3: {  	_ =	swait.ge [sflag:s1], $0xC000  }
0xd4: {  	p0 =	sne.s32 s6, $0x1;
	[sflag:s1] =	ssyncset.done $0x0  }
.Ltmp0:
0xd5: {  	s11 =	rddreg [dreg:$0x6];
	[sflag:s1] =	ssyncadd.s32 $0xFFFF4000;
	(pc) =	sbr.rel @p0 .LBB2_1-.Ltmp0, $4  }
0xd6: {  	[hbm4b:s11+s3] =	stream.linear.scatter [tilespmem:s9], [sflag:$0x3], $0xC000, $0x38;
	[tilespmem:$0x18100] =	vst v63  }
0xd7: {  	_ =	swait.ge [sflag:s7], $0xC000  }
0xd8: {  	[sflag:s7] =	ssyncset.done $0x0  }
0xd9: {  	s6 =	sadd.s32 $0xFFFFFFFF, s6;
	[sflag:s7] =	ssyncadd.s32 $0xFFFF4000  }
0xda: {  	_ =	sfence.sel $0x180000  }
0xdb: {  	[bflag:$0x0] =	sbarrier.arrive $0xFFFF  }
0xdc: {  	_ =	strace $0x9000004A  }
0xdd: {  	s0 =	stileid.u32;
	[bflag:$0x2] =	sbarrier.arrive $0xFFFF  }
0xde: {  	p0 =	sne.s32 s0, $0x0;
	s0 =	rddreg [dreg:$0x2]  }
0xdf: {  	s0 =	sadd.s32 @!p0 $0x100000, s0  }
0xe0: {  	[sflag:s0] =	ssyncadd.tile.s32 @!p0 $0x1;
	_ =	shalt  }
.Lfunc_end2:
_tile_overlayer_lowered:
.L_overlay_start_2:
0xe1: {  	(tag) =	ssettag $0x2  }
0xe2: {  	s0 =	rddreg [dreg:$0x0];
	s2 =	stileid.u32  }
0xe3: {  	s1 =	rddreg [dreg:$0x1];
	p0 =	sne.s32 s2, $0x0  }
0xe4: {  	s3 =	rddreg [dreg:$0x2];
	[bflag:$0x3] =	sbarrier.arrive $0xFFFF;
	s2 =	simm.s32 @!p0 $0x1C03  }
0xe5: {  	[timem:s3], [sflag:s2] =	dma.local @!p0 [hbm:s0], s1  }
0xe6: {  	s0 =	simm.s32 @!p0 $0x3  }
0xe7: {  	_ =	swait.ge @!p0 [sflag:s0], s1  }
0xe8: {  	s1 =	ssub.s32 @!p0 $0x0, s1;
	[sflag:s0] =	ssyncset.done @!p0 $0x0  }
0xe9: {  	[sflag:s0] =	ssyncadd.s32 @!p0 s1  }
0xea: {  	[bflag:$0x3] =	sbarrier.arrive $0xFFFF  }
0xeb: {  	_ =	shalt  }

</sc_bundles>
